<compile_context>
chip_gen: v7x
topology: tpu7x:2x2x1
jax: 0.10.2.dev20260603
libtpu: 0.0.44.dev20260713+nightly
codegen_flags: <defaults>
</compile_context>

<pallas_src>
import jax
import jax.numpy as jnp
from jax.experimental import pallas as pl
from jax.experimental.pallas import tpu as pltpu
from jax.experimental.pallas import tpu_sc as plsc

VOCAB = 1000000
EMB = 32
WIN = 5
HID = 256
OUT = 64
BATCH = 16384
GWIN = 128
NJ = BATCH // GWIN
BB = 2048

_vector_mesh = plsc.VectorSubcoreMesh(
    core_axis_name="core", subcore_axis_name="subcore"
)


def _sc_gather(table, x8):

    @pl.kernel(
        out_type=jax.ShapeDtypeStruct((2, BATCH, 128), jnp.float32),
        mesh=_vector_mesh,
        compiler_params=pltpu.CompilerParams(use_tc_tiling_on_sc=False),
    )
    def gather_kernel(table_hbm, idx_hbm, out_hbm):
        def body(i_vmem, o_vmem):
            pltpu.sync_copy(table_hbm.at[i_vmem.at[0]], o_vmem.at[0])

        pltpu.emit_pipeline(
            body,
            grid=(8, NJ),
            in_specs=[pl.BlockSpec((1, GWIN), index_map=lambda w, j: (w, j))],
            out_specs=[
                pl.BlockSpec(
                    (1, GWIN, EMB),
                    index_map=lambda w, j: (w // 4, j, w % 4),
                )
            ],
            core_axis_name=("core", "subcore"),
            dimension_semantics=(pltpu.PARALLEL, pltpu.PARALLEL),
        )(idx_hbm, out_hbm)

    return gather_kernel(table, x8)


def _mlp_body(e_ref, w1a_ref, w1b_ref, b1_ref, w2_ref, b2_ref, o_ref):
    h = jnp.tanh(
        jnp.dot(e_ref[0], w1a_ref[...], preferred_element_type=jnp.float32)
        + jnp.dot(e_ref[1], w1b_ref[...], preferred_element_type=jnp.float32)
        + b1_ref[...]
    )
    o_ref[...] = (
        jnp.dot(h, w2_ref[...], preferred_element_type=jnp.float32) + b2_ref[...]
    )


def _tc_mlp(eg, W1a, W1b, b1, W2, b2):
    return pl.pallas_call(
        _mlp_body,
        grid=(BATCH // BB,),
        in_specs=[
            pl.BlockSpec((2, BB, 128), lambda i: (0, i, 0)),
            pl.BlockSpec((128, HID), lambda i: (0, 0)),
            pl.BlockSpec((128, HID), lambda i: (0, 0)),
            pl.BlockSpec((1, HID), lambda i: (0, 0)),
            pl.BlockSpec((HID, OUT), lambda i: (0, 0)),
            pl.BlockSpec((1, OUT), lambda i: (0, 0)),
        ],
        out_specs=pl.BlockSpec((BB, OUT), lambda i: (i, 0)),
        out_shape=jax.ShapeDtypeStruct((BATCH, OUT), jnp.float32),
    )(eg, W1a, W1b, b1.reshape(1, HID), W2, b2.reshape(1, OUT))


@jax.jit
def kernel(x, table, W1, b1, W2, b2):
    xi = x.astype(jnp.int32)
    cols = [xi[:, w] * 4 for w in range(WIN)]
    x8 = jnp.stack(cols + cols[1:4])
    t4 = jnp.pad(table, ((0, 0), (0, 96))).reshape(4 * VOCAB, EMB)
    eg = _sc_gather(t4, x8)
    W1a = W1[:128]
    W1b = jnp.zeros((128, HID), jnp.float32).at[: WIN * EMB - 128].set(W1[128:])
    return _tc_mlp(eg, W1a, W1b, b1, W2, b2)

# --- scband reference (transcript-rebuilt; emitter-appended) ---
"""Pipeline reference for scband-window-based-tagger-79766132622020 (READ-ONLY COPY).

The authoritative reference and input builder live on the scoring server;
editing this copy changes nothing except your own understanding.
"""

import jax, jax.numpy as jnp
import numpy as np

VOCAB = 1000000
EMB = 32
WIN = 5
HID = 256
OUT = 64
BATCH = 16384

def setup_inputs(seed: int = 0) -> dict:
    key = jax.random.key(seed)
    k1, k2, k3, k4, k5, k6 = jax.random.split(key, 6)
    x = jax.random.randint(k1, (BATCH, WIN), 0, VOCAB, dtype=jnp.int64 if jax.config.jax_enable_x64 else jnp.int32)
    table = jax.random.normal(k2, (VOCAB, EMB), dtype=jnp.float32)
    fan1 = WIN * EMB
    W1 = jax.random.uniform(k3, (fan1, HID), dtype=jnp.float32, minval=-1.0/np.sqrt(fan1), maxval=1.0/np.sqrt(fan1))
    b1 = jax.random.uniform(k4, (HID,), dtype=jnp.float32, minval=-1.0/np.sqrt(fan1), maxval=1.0/np.sqrt(fan1))
    W2 = jax.random.uniform(k5, (HID, OUT), dtype=jnp.float32, minval=-1.0/np.sqrt(HID), maxval=1.0/np.sqrt(HID))
    b2 = jax.random.uniform(k6, (OUT,), dtype=jnp.float32, minval=-1.0/np.sqrt(HID), maxval=1.0/np.sqrt(HID))
    return {"x": x, "table": table, "W1": W1, "b1": b1, "W2": W2, "b2": b2}

def reference(x, table, W1, b1, W2, b2):
    # embedding lookup (gather) -> flatten window -> fc1 -> tanh -> fc2
    embeds = jnp.take(table, x, axis=0)          # [B, WIN, EMB]
    embeds = embeds.reshape((x.shape[0], -1))    # [B, WIN*EMB]
    hidden = jnp.tanh(embeds @ W1 + b1)          # [B, HID]
    output = hidden @ W2 + b2                    # [B, OUT]
    return output

if __name__ == "__main__":
    import jax
    _d = setup_inputs()
    print(jax.jit(kernel)(*tuple(_d.values())))

</pallas_src>

<mosaic_0001>
#map = affine_map<(d0, d1) -> (0, 0)>
#map1 = affine_map<(d0, d1) -> (0, 0, 0)>
module attributes {stable_mosaic.version = 14 : i64} {
  func.func @gather_kernel(%arg0: i32, %arg1: i32, %arg2: memref<4000000x32xf32, #tpu.memory_space<hbm>>, %arg3: memref<8x16384xi32, #tpu.memory_space<hbm>>, %arg4: memref<2x16384x128xf32, #tpu.memory_space<hbm>>) attributes {dimension_semantics = [#tpu.dimension_semantics<core_parallel>, #tpu.dimension_semantics<subcore_parallel>], iteration_bounds = array<i64: 2, 16>, scalar_prefetch = 0 : i64, scratch_operands = 0 : i64, tpu.core_type = #tpu.core_type<sc_vector_subcore>, window_params = [{transform_indices = #map}, {transform_indices = #map}, {transform_indices = #map1}]} {
    %mul3A = arith.constant 1 : i32
    %mul3A_0 = arith.muli %arg1, %mul3A : i32
    %add3A = arith.constant 0 : i32
    %add3A_1 = arith.addi %add3A, %mul3A_0 : i32
    %mul3A_2 = arith.constant 16 : i32
    %mul3A_3 = arith.muli %arg0, %mul3A_2 : i32
    %add3A_4 = arith.addi %add3A_1, %mul3A_3 : i32
    %mul3A_5 = arith.constant 4 : i32
    %mul3A_6 = arith.muli %add3A_4, %mul3A_5 : i32
    "tpu.region"() ({
      %run_scoped3A = memref.alloca() : memref<2x1x128xi32, #tpu.memory_space<vmem>>
      %run_scoped3A_7 = tpu.sem_alloc : memref<2x!tpu.dma_semaphore, #tpu.memory_space<semaphore_mem>>
      %run_scoped3A_8 = memref.alloca() : memref<2x1x128x32xf32, #tpu.memory_space<vmem>>
      %run_scoped3A_9 = tpu.sem_alloc : memref<2x!tpu.dma_semaphore, #tpu.memory_space<semaphore_mem>>
      %add3A_10 = arith.constant 0 : i32
      %add3A_11 = arith.addi %add3A_10, %mul3A_6 : i32
      %select_n3A = arith.constant true
      %select_n3A_12 = arith.constant 0 : i32
      %select_n3A_13 = arith.constant -1 : i32
      %select_n3A_14 = arith.select %select_n3A, %select_n3A_13, %select_n3A_12 : i32
      %eq3A = arith.constant -1 : i32
      %eq3A_15 = arith.cmpi eq, %select_n3A_14, %eq3A : i32
      %select_n3A_16 = arith.constant 3 : i32
      %select_n3A_17 = arith.select %eq3A_15, %select_n3A_16, %select_n3A_14 : i32
      %select_n3A_18 = arith.constant 0 : i32
      %select_n3A_19 = arith.constant -1 : i32
      %select_n3A_20 = arith.select %eq3A_15, %select_n3A_19, %select_n3A_18 : i32
      %eq3A_21 = arith.constant -1 : i32
      %eq3A_22 = arith.cmpi eq, %select_n3A_20, %eq3A_21 : i32
      %select_n3A_23 = arith.constant 7 : i32
      %select_n3A_24 = arith.select %eq3A_22, %select_n3A_23, %select_n3A_20 : i32
      %add3A_25 = arith.constant 0 : i32
      %add3A_26 = arith.addi %select_n3A_24, %add3A_25 : i32
      %add3A_27 = arith.addi %select_n3A_17, %mul3A_6 : i32
      %select_n3A_28 = arith.constant true
      %select_n3A_29 = arith.constant 0 : i32
      %select_n3A_30 = arith.constant 1 : i32
      %select_n3A_31 = arith.select %select_n3A_28, %select_n3A_30, %select_n3A_29 : i32
      %eq3A_32 = arith.constant 4 : i32
      %eq3A_33 = arith.cmpi eq, %select_n3A_31, %eq3A_32 : i32
      %select_n3A_34 = arith.constant 0 : i32
      %select_n3A_35 = arith.select %eq3A_33, %select_n3A_34, %select_n3A_31 : i32
      %select_n3A_36 = arith.constant 0 : i32
      %select_n3A_37 = arith.constant 1 : i32
      %select_n3A_38 = arith.select %eq3A_33, %select_n3A_37, %select_n3A_36 : i32
      %eq3A_39 = arith.constant 8 : i32
      %eq3A_40 = arith.cmpi eq, %select_n3A_38, %eq3A_39 : i32
      %select_n3A_41 = arith.constant 0 : i32
      %select_n3A_42 = arith.select %eq3A_40, %select_n3A_41, %select_n3A_38 : i32
      %add3A_43 = arith.constant 0 : i32
      %add3A_44 = arith.addi %select_n3A_42, %add3A_43 : i32
      %add3A_45 = arith.addi %select_n3A_35, %mul3A_6 : i32
      %add3A_46 = arith.constant 1 : i32
      %add3A_47 = arith.addi %select_n3A_35, %add3A_46 : i32
      %select_n3A_48 = arith.constant true
      %select_n3A_49 = arith.select %select_n3A_48, %add3A_47, %select_n3A_35 : i32
      %eq3A_50 = arith.constant 4 : i32
      %eq3A_51 = arith.cmpi eq, %select_n3A_49, %eq3A_50 : i32
      %select_n3A_52 = arith.constant 0 : i32
      %select_n3A_53 = arith.select %eq3A_51, %select_n3A_52, %select_n3A_49 : i32
      %add3A_54 = arith.constant 1 : i32
      %add3A_55 = arith.addi %select_n3A_42, %add3A_54 : i32
      %select_n3A_56 = arith.select %eq3A_51, %add3A_55, %select_n3A_42 : i32
      %eq3A_57 = arith.constant 8 : i32
      %eq3A_58 = arith.cmpi eq, %select_n3A_56, %eq3A_57 : i32
      %select_n3A_59 = arith.constant 0 : i32
      %select_n3A_60 = arith.select %eq3A_58, %select_n3A_59, %select_n3A_56 : i32
      %add3A_61 = arith.constant 0 : i32
      %add3A_62 = arith.addi %select_n3A_60, %add3A_61 : i32
      %add3A_63 = arith.addi %select_n3A_53, %mul3A_6 : i32
      "tpu.trace_start"() <{level = 10 : i32, message = "ep_initialize_0"}> : () -> ()
      %rem3A = arith.constant 0 : i32
      %rem3A_64 = arith.constant 2 : i32
      %rem3A_65 = arith.remui %rem3A, %rem3A_64 : i32
      %mul3A_66 = arith.constant 128 : i32
      %mul3A_67 = arith.muli %mul3A_66, %add3A_11 : i32
      %dma_start3A = arith.constant 0 : i32
      %dma_start3A_68 = arith.constant 0 : i32
      %dma_start3A_69 = tpu.memref_slice %run_scoped3A[%rem3A_65, %dma_start3A, %dma_start3A_68] : memref<2x1x128xi32, #tpu.memory_space<vmem>> -> memref<1x1x128xi32, #tpu.memory_space<vmem>>
      %dma_start3A_70 = tpu.memref_squeeze %dma_start3A_69 : memref<1x1x128xi32, #tpu.memory_space<vmem>> -> memref<1x128xi32, #tpu.memory_space<vmem>>
      %dma_start3A_71 = arith.constant 0 : i32
      %dma_start3A_72 = tpu.memref_slice %arg3[%dma_start3A_71, %mul3A_67] : memref<8x16384xi32, #tpu.memory_space<hbm>> -> memref<1x128xi32, #tpu.memory_space<hbm>>
      %dma_start3A_73 = tpu.memref_slice %run_scoped3A_7[%rem3A_65] : memref<2x!tpu.dma_semaphore, #tpu.memory_space<semaphore_mem>> -> memref<1x!tpu.dma_semaphore, #tpu.memory_space<semaphore_mem>>
      %dma_start3A_74 = tpu.memref_squeeze %dma_start3A_73 : memref<1x!tpu.dma_semaphore, #tpu.memory_space<semaphore_mem>> -> memref<!tpu.dma_semaphore, #tpu.memory_space<semaphore_mem>>
      %dma_start3A_75 = arith.constant 0 : i32
      %dma_start3A_76 = arith.constant 0 : i32
      %dma_start3A_77 = tpu.memref_slice %run_scoped3A[%rem3A_65, %dma_start3A_75, %dma_start3A_76] : memref<2x1x128xi32, #tpu.memory_space<vmem>> -> memref<1x1x128xi32, #tpu.memory_space<vmem>>
      %dma_start3A_78 = tpu.memref_squeeze %dma_start3A_77 : memref<1x1x128xi32, #tpu.memory_space<vmem>> -> memref<1x128xi32, #tpu.memory_space<vmem>>
      %dma_start3A_79 = arith.constant 0 : i32
      %dma_start3A_80 = tpu.memref_slice %arg3[%dma_start3A_79, %mul3A_67] : memref<8x16384xi32, #tpu.memory_space<hbm>> -> memref<1x128xi32, #tpu.memory_space<hbm>>
      tpu.enqueue_dma source(%dma_start3A_80 : memref<1x128xi32, #tpu.memory_space<hbm>>) target(%dma_start3A_78 : memref<1x128xi32, #tpu.memory_space<vmem>>) target_semaphore(%dma_start3A_74 : memref<!tpu.dma_semaphore, #tpu.memory_space<semaphore_mem>>)
      %add3A_81 = arith.constant 0 : i32
      %add3A_82 = arith.constant 1 : i32
      %add3A_83 = arith.addi %add3A_81, %add3A_82 : i32
      %select_n3A_84 = arith.constant true
      %select_n3A_85 = arith.constant 0 : i32
      %select_n3A_86 = arith.select %select_n3A_84, %add3A_83, %select_n3A_85 : i32
      "tpu.trace_stop"() : () -> ()
      %scan3A = arith.constant 0 : i32
      %scan3A_87 = arith.constant 0 : i32
      %scan3A_88 = arith.constant 0 : i32
      %scan3A_89 = arith.constant 0 : i32
      %scan3A_90 = arith.constant 0 : i32
      %scan3A_91 = arith.constant 0 : i32
      %scan3A_92 = arith.constant 32 : i32
      %scan3A_93 = arith.addi %scan3A_91, %scan3A_92 : i32
      %scan3A_94 = arith.constant 1 : i32
      %scan3A_95:6 = scf.for %scan3A_223 = %scan3A_91 to %scan3A_93 step %scan3A_94 iter_args(%scan3A_224 = %select_n3A_86, %scan3A_225 = %scan3A, %scan3A_226 = %scan3A_87, %scan3A_227 = %scan3A_88, %scan3A_228 = %scan3A_89, %scan3A_229 = %scan3A_90) -> (i32, i32, i32, i32, i32, i32)  : i32 {
        %eq3A_230 = arith.constant 0 : i32
        %eq3A_231 = arith.cmpi eq, %scan3A_223, %eq3A_230 : i32
        %eq3A_232 = arith.constant 31 : i32
        %eq3A_233 = arith.cmpi eq, %scan3A_223, %eq3A_232 : i32
        %add3A_234 = arith.constant 0 : i32
        %add3A_235 = arith.addi %scan3A_228, %add3A_234 : i32
        %add3A_236 = arith.addi %scan3A_229, %mul3A_6 : i32
        %sub3A_237 = arith.constant 1 : i32
        %sub3A_238 = arith.subi %scan3A_229, %sub3A_237 : i32
        %select_n3A_239 = arith.constant true
        %select_n3A_240 = arith.select %select_n3A_239, %sub3A_238, %scan3A_229 : i32
        %eq3A_241 = arith.constant -1 : i32
        %eq3A_242 = arith.cmpi eq, %select_n3A_240, %eq3A_241 : i32
        %select_n3A_243 = arith.constant 3 : i32
        %select_n3A_244 = arith.select %eq3A_242, %select_n3A_243, %select_n3A_240 : i32
        %sub3A_245 = arith.constant 1 : i32
        %sub3A_246 = arith.subi %scan3A_228, %sub3A_245 : i32
        %select_n3A_247 = arith.select %eq3A_242, %sub3A_246, %scan3A_228 : i32
        %eq3A_248 = arith.constant -1 : i32
        %eq3A_249 = arith.cmpi eq, %select_n3A_247, %eq3A_248 : i32
        %select_n3A_250 = arith.constant 7 : i32
        %select_n3A_251 = arith.select %eq3A_249, %select_n3A_250, %select_n3A_247 : i32
        %add3A_252 = arith.constant 0 : i32
        %add3A_253 = arith.addi %select_n3A_251, %add3A_252 : i32
        %add3A_254 = arith.addi %select_n3A_244, %mul3A_6 : i32
        %add3A_255 = arith.constant 1 : i32
        %add3A_256 = arith.addi %scan3A_229, %add3A_255 : i32
        %select_n3A_257 = arith.constant true
        %select_n3A_258 = arith.select %select_n3A_257, %add3A_256, %scan3A_229 : i32
        %eq3A_259 = arith.constant 4 : i32
        %eq3A_260 = arith.cmpi eq, %select_n3A_258, %eq3A_259 : i32
        %select_n3A_261 = arith.constant 0 : i32
        %select_n3A_262 = arith.select %eq3A_260, %select_n3A_261, %select_n3A_258 : i32
        %add3A_263 = arith.constant 1 : i32
        %add3A_264 = arith.addi %scan3A_228, %add3A_263 : i32
        %select_n3A_265 = arith.select %eq3A_260, %add3A_264, %scan3A_228 : i32
        %eq3A_266 = arith.constant 8 : i32
        %eq3A_267 = arith.cmpi eq, %select_n3A_265, %eq3A_266 : i32
        %select_n3A_268 = arith.constant 0 : i32
        %select_n3A_269 = arith.select %eq3A_267, %select_n3A_268, %select_n3A_265 : i32
        %add3A_270 = arith.constant 0 : i32
        %add3A_271 = arith.addi %select_n3A_269, %add3A_270 : i32
        %add3A_272 = arith.addi %select_n3A_262, %mul3A_6 : i32
        %add3A_273 = arith.constant 1 : i32
        %add3A_274 = arith.addi %select_n3A_262, %add3A_273 : i32
        %select_n3A_275 = arith.constant true
        %select_n3A_276 = arith.select %select_n3A_275, %add3A_274, %select_n3A_262 : i32
        %eq3A_277 = arith.constant 4 : i32
        %eq3A_278 = arith.cmpi eq, %select_n3A_276, %eq3A_277 : i32
        %select_n3A_279 = arith.constant 0 : i32
        %select_n3A_280 = arith.select %eq3A_278, %select_n3A_279, %select_n3A_276 : i32
        %add3A_281 = arith.constant 1 : i32
        %add3A_282 = arith.addi %select_n3A_269, %add3A_281 : i32
        %select_n3A_283 = arith.select %eq3A_278, %add3A_282, %select_n3A_269 : i32
        %eq3A_284 = arith.constant 8 : i32
        %eq3A_285 = arith.cmpi eq, %select_n3A_283, %eq3A_284 : i32
        %select_n3A_286 = arith.constant 0 : i32
        %select_n3A_287 = arith.select %eq3A_285, %select_n3A_286, %select_n3A_283 : i32
        %add3A_288 = arith.constant 0 : i32
        %add3A_289 = arith.addi %select_n3A_287, %add3A_288 : i32
        %add3A_290 = arith.addi %select_n3A_280, %mul3A_6 : i32
        %ne3A_291 = arith.cmpi ne, %add3A_235, %add3A_271 : i32
        %ne3A_292 = arith.cmpi ne, %add3A_236, %add3A_272 : i32
        %or3A = arith.constant false
        %or3A_293 = arith.ori %or3A, %ne3A_291 : i1
        %or3A_294 = arith.ori %or3A_293, %ne3A_292 : i1
        %ge3A = arith.constant 31 : i32
        %ge3A_295 = arith.cmpi sge, %scan3A_223, %ge3A : i32
        %not3A = arith.constant true
        %not3A_296 = arith.xori %ge3A_295, %not3A : i1
        %and3A_297 = arith.andi %or3A_294, %not3A_296 : i1
        %convert_element_type3A = arith.extui %and3A_297 : i1 to i32
        %cond3A = arith.constant 0 : i32
        %cond3A_298 = arith.cmpi ne, %convert_element_type3A, %cond3A : i32
        scf.if %cond3A_298 {
          "tpu.trace_start"() <{level = 10 : i32, message = "ep_copy_in"}> : () -> ()
          %rem3A_744 = arith.constant 2 : i32
          %rem3A_745 = arith.remui %scan3A_224, %rem3A_744 : i32
          %mul3A_746 = arith.constant 1 : i32
          %mul3A_747 = arith.muli %mul3A_746, %add3A_271 : i32
          %mul3A_748 = arith.constant 128 : i32
          %mul3A_749 = arith.muli %mul3A_748, %add3A_272 : i32
          %dma_start3A_750 = arith.constant 0 : i32
          %dma_start3A_751 = arith.constant 0 : i32
          %dma_start3A_752 = tpu.memref_slice %run_scoped3A[%rem3A_745, %dma_start3A_750, %dma_start3A_751] : memref<2x1x128xi32, #tpu.memory_space<vmem>> -> memref<1x1x128xi32, #tpu.memory_space<vmem>>
          %dma_start3A_753 = tpu.memref_squeeze %dma_start3A_752 : memref<1x1x128xi32, #tpu.memory_space<vmem>> -> memref<1x128xi32, #tpu.memory_space<vmem>>
          %dma_start3A_754 = tpu.memref_slice %arg3[%mul3A_747, %mul3A_749] : memref<8x16384xi32, #tpu.memory_space<hbm>> -> memref<1x128xi32, #tpu.memory_space<hbm>>
          %dma_start3A_755 = tpu.memref_slice %run_scoped3A_7[%rem3A_745] : memref<2x!tpu.dma_semaphore, #tpu.memory_space<semaphore_mem>> -> memref<1x!tpu.dma_semaphore, #tpu.memory_space<semaphore_mem>>
          %dma_start3A_756 = tpu.memref_squeeze %dma_start3A_755 : memref<1x!tpu.dma_semaphore, #tpu.memory_space<semaphore_mem>> -> memref<!tpu.dma_semaphore, #tpu.memory_space<semaphore_mem>>
          %dma_start3A_757 = arith.constant 0 : i32
          %dma_start3A_758 = arith.constant 0 : i32
          %dma_start3A_759 = tpu.memref_slice %run_scoped3A[%rem3A_745, %dma_start3A_757, %dma_start3A_758] : memref<2x1x128xi32, #tpu.memory_space<vmem>> -> memref<1x1x128xi32, #tpu.memory_space<vmem>>
          %dma_start3A_760 = tpu.memref_squeeze %dma_start3A_759 : memref<1x1x128xi32, #tpu.memory_space<vmem>> -> memref<1x128xi32, #tpu.memory_space<vmem>>
          %dma_start3A_761 = tpu.memref_slice %arg3[%mul3A_747, %mul3A_749] : memref<8x16384xi32, #tpu.memory_space<hbm>> -> memref<1x128xi32, #tpu.memory_space<hbm>>
          tpu.enqueue_dma source(%dma_start3A_761 : memref<1x128xi32, #tpu.memory_space<hbm>>) target(%dma_start3A_760 : memref<1x128xi32, #tpu.memory_space<vmem>>) target_semaphore(%dma_start3A_756 : memref<!tpu.dma_semaphore, #tpu.memory_space<semaphore_mem>>)
          "tpu.trace_stop"() : () -> ()
        } else {
        }
        %and3A_299 = arith.constant true
        %and3A_300 = arith.andi %and3A_297, %and3A_299 : i1
        %add3A_301 = arith.constant 1 : i32
        %add3A_302 = arith.addi %scan3A_224, %add3A_301 : i32
        %select_n3A_303 = arith.select %and3A_300, %add3A_302, %scan3A_224 : i32
        %jit3A_304 = arith.constant 4 : i32
        %div3A_305 = arith.divsi %add3A_235, %jit3A_304 : i32
        %sign3A_306 = arith.constant 0 : i32
        %sign3A_307 = arith.cmpi sgt, %add3A_235, %sign3A_306 : i32
        %sign3A_308 = arith.extui %sign3A_307 : i1 to i32
        %sign3A_309 = arith.constant 0 : i32
        %sign3A_310 = arith.cmpi slt, %add3A_235, %sign3A_309 : i32
        %sign3A_311 = arith.extui %sign3A_310 : i1 to i32
        %sign3A_312 = arith.subi %sign3A_308, %sign3A_311 : i32
        %sign3A_313 = arith.constant 0 : i32
        %sign3A_314 = arith.cmpi sgt, %jit3A_304, %sign3A_313 : i32
        %sign3A_315 = arith.extui %sign3A_314 : i1 to i32
        %sign3A_316 = arith.constant 0 : i32
        %sign3A_317 = arith.cmpi slt, %jit3A_304, %sign3A_316 : i32
        %sign3A_318 = arith.extui %sign3A_317 : i1 to i32
        %sign3A_319 = arith.subi %sign3A_315, %sign3A_318 : i32
        %ne3A_320 = arith.cmpi ne, %sign3A_312, %sign3A_319 : i32
        %rem3A_321 = arith.remsi %add3A_235, %jit3A_304 : i32
        %ne3A_322 = arith.constant 0 : i32
        %ne3A_323 = arith.cmpi ne, %rem3A_321, %ne3A_322 : i32
        %and3A_324 = arith.andi %ne3A_320, %ne3A_323 : i1
        %sub3A_325 = arith.constant 1 : i32
        %sub3A_326 = arith.subi %div3A_305, %sub3A_325 : i32
        %select_n3A_327 = arith.select %and3A_324, %sub3A_326, %div3A_305 : i32
        %jit3A_328 = arith.constant 4 : i32
        %eq3A_329 = arith.constant 0 : i32
        %eq3A_330 = arith.cmpi eq, %jit3A_328, %eq3A_329 : i32
        %jit3A_331 = arith.constant 1 : i32
        %select_n3A_332 = arith.select %eq3A_330, %jit3A_331, %jit3A_328 : i32
        %rem3A_333 = arith.remsi %add3A_235, %select_n3A_332 : i32
        %ne3A_334 = arith.constant 0 : i32
        %ne3A_335 = arith.cmpi ne, %rem3A_333, %ne3A_334 : i32
        %lt3A_336 = arith.constant 0 : i32
        %lt3A_337 = arith.cmpi slt, %rem3A_333, %lt3A_336 : i32
        %lt3A_338 = arith.constant 0 : i32
        %lt3A_339 = arith.cmpi slt, %select_n3A_332, %lt3A_338 : i32
        %ne3A_340 = arith.xori %lt3A_337, %lt3A_339 : i1
        %and3A_341 = arith.andi %ne3A_340, %ne3A_335 : i1
        %add3A_342 = arith.addi %rem3A_333, %select_n3A_332 : i32
        %select_n3A_343 = arith.select %and3A_341, %add3A_342, %rem3A_333 : i32
        %jit3A_344 = arith.constant 4 : i32
        %div3A_345 = arith.divsi %add3A_271, %jit3A_344 : i32
        %sign3A_346 = arith.constant 0 : i32
        %sign3A_347 = arith.cmpi sgt, %add3A_271, %sign3A_346 : i32
        %sign3A_348 = arith.extui %sign3A_347 : i1 to i32
        %sign3A_349 = arith.constant 0 : i32
        %sign3A_350 = arith.cmpi slt, %add3A_271, %sign3A_349 : i32
        %sign3A_351 = arith.extui %sign3A_350 : i1 to i32
        %sign3A_352 = arith.subi %sign3A_348, %sign3A_351 : i32
        %sign3A_353 = arith.constant 0 : i32
        %sign3A_354 = arith.cmpi sgt, %jit3A_344, %sign3A_353 : i32
        %sign3A_355 = arith.extui %sign3A_354 : i1 to i32
        %sign3A_356 = arith.constant 0 : i32
        %sign3A_357 = arith.cmpi slt, %jit3A_344, %sign3A_356 : i32
        %sign3A_358 = arith.extui %sign3A_357 : i1 to i32
        %sign3A_359 = arith.subi %sign3A_355, %sign3A_358 : i32
        %ne3A_360 = arith.cmpi ne, %sign3A_352, %sign3A_359 : i32
        %rem3A_361 = arith.remsi %add3A_271, %jit3A_344 : i32
        %ne3A_362 = arith.constant 0 : i32
        %ne3A_363 = arith.cmpi ne, %rem3A_361, %ne3A_362 : i32
        %and3A_364 = arith.andi %ne3A_360, %ne3A_363 : i1
        %sub3A_365 = arith.constant 1 : i32
        %sub3A_366 = arith.subi %div3A_345, %sub3A_365 : i32
        %select_n3A_367 = arith.select %and3A_364, %sub3A_366, %div3A_345 : i32
        %jit3A_368 = arith.constant 4 : i32
        %eq3A_369 = arith.constant 0 : i32
        %eq3A_370 = arith.cmpi eq, %jit3A_368, %eq3A_369 : i32
        %jit3A_371 = arith.constant 1 : i32
        %select_n3A_372 = arith.select %eq3A_370, %jit3A_371, %jit3A_368 : i32
        %rem3A_373 = arith.remsi %add3A_271, %select_n3A_372 : i32
        %ne3A_374 = arith.constant 0 : i32
        %ne3A_375 = arith.cmpi ne, %rem3A_373, %ne3A_374 : i32
        %lt3A_376 = arith.constant 0 : i32
        %lt3A_377 = arith.cmpi slt, %rem3A_373, %lt3A_376 : i32
        %lt3A_378 = arith.constant 0 : i32
        %lt3A_379 = arith.cmpi slt, %select_n3A_372, %lt3A_378 : i32
        %ne3A_380 = arith.xori %lt3A_377, %lt3A_379 : i1
        %and3A_381 = arith.andi %ne3A_380, %ne3A_375 : i1
        %add3A_382 = arith.addi %rem3A_373, %select_n3A_372 : i32
        %select_n3A_383 = arith.select %and3A_381, %add3A_382, %rem3A_373 : i32
        %ne3A_384 = arith.cmpi ne, %select_n3A_327, %select_n3A_367 : i32
        %ne3A_385 = arith.cmpi ne, %add3A_236, %add3A_272 : i32
        %ne3A_386 = arith.cmpi ne, %select_n3A_343, %select_n3A_383 : i32
        %or3A_387 = arith.constant false
        %or3A_388 = arith.ori %or3A_387, %ne3A_384 : i1
        %or3A_389 = arith.ori %or3A_388, %ne3A_385 : i1
        %or3A_390 = arith.ori %or3A_389, %ne3A_386 : i1
        %ge3A_391 = arith.constant 31 : i32
        %ge3A_392 = arith.cmpi sge, %scan3A_223, %ge3A_391 : i32
        %not3A_393 = arith.constant true
        %not3A_394 = arith.xori %ge3A_392, %not3A_393 : i1
        %and3A_395 = arith.andi %or3A_390, %not3A_394 : i1
        %ne3A_396 = arith.cmpi ne, %add3A_235, %add3A_253 : i32
        %ne3A_397 = arith.cmpi ne, %add3A_236, %add3A_254 : i32
        %or3A_398 = arith.constant false
        %or3A_399 = arith.ori %or3A_398, %ne3A_396 : i1
        %or3A_400 = arith.ori %or3A_399, %ne3A_397 : i1
        %or3A_401 = arith.ori %or3A_400, %eq3A_231 : i1
        %convert_element_type3A_402 = arith.extui %or3A_401 : i1 to i32
        %cond3A_403 = arith.constant 0 : i32
        %cond3A_404 = arith.cmpi ne, %convert_element_type3A_402, %cond3A_403 : i32
        scf.if %cond3A_404 {
          "tpu.trace_start"() <{level = 10 : i32, message = "ep_wait_in"}> : () -> ()
          %mul3A_744 = arith.constant 1 : i32
          %mul3A_745 = arith.muli %mul3A_744, %add3A_235 : i32
          %mul3A_746 = arith.constant 128 : i32
          %mul3A_747 = arith.muli %mul3A_746, %add3A_236 : i32
          %rem3A_748 = arith.constant 2 : i32
          %rem3A_749 = arith.remui %scan3A_225, %rem3A_748 : i32
          %dma_wait3A_750 = arith.constant 0 : i32
          %dma_wait3A_751 = arith.constant 0 : i32
          %dma_wait3A_752 = tpu.memref_slice %run_scoped3A[%rem3A_749, %dma_wait3A_750, %dma_wait3A_751] : memref<2x1x128xi32, #tpu.memory_space<vmem>> -> memref<1x1x128xi32, #tpu.memory_space<vmem>>
          %dma_wait3A_753 = tpu.memref_squeeze %dma_wait3A_752 : memref<1x1x128xi32, #tpu.memory_space<vmem>> -> memref<1x128xi32, #tpu.memory_space<vmem>>
          %dma_wait3A_754 = tpu.memref_slice %arg3[%mul3A_745, %mul3A_747] : memref<8x16384xi32, #tpu.memory_space<hbm>> -> memref<1x128xi32, #tpu.memory_space<hbm>>
          %dma_wait3A_755 = tpu.memref_slice %run_scoped3A_7[%rem3A_749] : memref<2x!tpu.dma_semaphore, #tpu.memory_space<semaphore_mem>> -> memref<1x!tpu.dma_semaphore, #tpu.memory_space<semaphore_mem>>
          %dma_wait3A_756 = tpu.memref_squeeze %dma_wait3A_755 : memref<1x!tpu.dma_semaphore, #tpu.memory_space<semaphore_mem>> -> memref<!tpu.dma_semaphore, #tpu.memory_space<semaphore_mem>>
          %dma_wait3A_757 = arith.constant 0 : i32
          %dma_wait3A_758 = arith.constant 0 : i32
          %dma_wait3A_759 = tpu.memref_slice %run_scoped3A[%rem3A_749, %dma_wait3A_757, %dma_wait3A_758] : memref<2x1x128xi32, #tpu.memory_space<vmem>> -> memref<1x1x128xi32, #tpu.memory_space<vmem>>
          %dma_wait3A_760 = tpu.memref_squeeze %dma_wait3A_759 : memref<1x1x128xi32, #tpu.memory_space<vmem>> -> memref<1x128xi32, #tpu.memory_space<vmem>>
          %dma_wait3A_761 = tpu.memref_slice %arg3[%mul3A_745, %mul3A_747] : memref<8x16384xi32, #tpu.memory_space<hbm>> -> memref<1x128xi32, #tpu.memory_space<hbm>>
          tpu.wait_dma2 semaphore(%dma_wait3A_756 : memref<!tpu.dma_semaphore, #tpu.memory_space<semaphore_mem>>) src(%dma_wait3A_761 : memref<1x128xi32, #tpu.memory_space<hbm>>) dst(%dma_wait3A_760 : memref<1x128xi32, #tpu.memory_space<vmem>>)
          "tpu.trace_stop"() : () -> ()
        } else {
        }
        %jit3A_405 = arith.constant 4 : i32
        %div3A_406 = arith.divsi %add3A_235, %jit3A_405 : i32
        %sign3A_407 = arith.constant 0 : i32
        %sign3A_408 = arith.cmpi sgt, %add3A_235, %sign3A_407 : i32
        %sign3A_409 = arith.extui %sign3A_408 : i1 to i32
        %sign3A_410 = arith.constant 0 : i32
        %sign3A_411 = arith.cmpi slt, %add3A_235, %sign3A_410 : i32
        %sign3A_412 = arith.extui %sign3A_411 : i1 to i32
        %sign3A_413 = arith.subi %sign3A_409, %sign3A_412 : i32
        %sign3A_414 = arith.constant 0 : i32
        %sign3A_415 = arith.cmpi sgt, %jit3A_405, %sign3A_414 : i32
        %sign3A_416 = arith.extui %sign3A_415 : i1 to i32
        %sign3A_417 = arith.constant 0 : i32
        %sign3A_418 = arith.cmpi slt, %jit3A_405, %sign3A_417 : i32
        %sign3A_419 = arith.extui %sign3A_418 : i1 to i32
        %sign3A_420 = arith.subi %sign3A_416, %sign3A_419 : i32
        %ne3A_421 = arith.cmpi ne, %sign3A_413, %sign3A_420 : i32
        %rem3A_422 = arith.remsi %add3A_235, %jit3A_405 : i32
        %ne3A_423 = arith.constant 0 : i32
        %ne3A_424 = arith.cmpi ne, %rem3A_422, %ne3A_423 : i32
        %and3A_425 = arith.andi %ne3A_421, %ne3A_424 : i1
        %sub3A_426 = arith.constant 1 : i32
        %sub3A_427 = arith.subi %div3A_406, %sub3A_426 : i32
        %select_n3A_428 = arith.select %and3A_425, %sub3A_427, %div3A_406 : i32
        %jit3A_429 = arith.constant 4 : i32
        %eq3A_430 = arith.constant 0 : i32
        %eq3A_431 = arith.cmpi eq, %jit3A_429, %eq3A_430 : i32
        %jit3A_432 = arith.constant 1 : i32
        %select_n3A_433 = arith.select %eq3A_431, %jit3A_432, %jit3A_429 : i32
        %rem3A_434 = arith.remsi %add3A_235, %select_n3A_433 : i32
        %ne3A_435 = arith.constant 0 : i32
        %ne3A_436 = arith.cmpi ne, %rem3A_434, %ne3A_435 : i32
        %lt3A_437 = arith.constant 0 : i32
        %lt3A_438 = arith.cmpi slt, %rem3A_434, %lt3A_437 : i32
        %lt3A_439 = arith.constant 0 : i32
        %lt3A_440 = arith.cmpi slt, %select_n3A_433, %lt3A_439 : i32
        %ne3A_441 = arith.xori %lt3A_438, %lt3A_440 : i1
        %and3A_442 = arith.andi %ne3A_441, %ne3A_436 : i1
        %add3A_443 = arith.addi %rem3A_434, %select_n3A_433 : i32
        %select_n3A_444 = arith.select %and3A_442, %add3A_443, %rem3A_434 : i32
        %jit3A_445 = arith.constant 4 : i32
        %div3A_446 = arith.divsi %add3A_253, %jit3A_445 : i32
        %sign3A_447 = arith.constant 0 : i32
        %sign3A_448 = arith.cmpi sgt, %add3A_253, %sign3A_447 : i32
        %sign3A_449 = arith.extui %sign3A_448 : i1 to i32
        %sign3A_450 = arith.constant 0 : i32
        %sign3A_451 = arith.cmpi slt, %add3A_253, %sign3A_450 : i32
        %sign3A_452 = arith.extui %sign3A_451 : i1 to i32
        %sign3A_453 = arith.subi %sign3A_449, %sign3A_452 : i32
        %sign3A_454 = arith.constant 0 : i32
        %sign3A_455 = arith.cmpi sgt, %jit3A_445, %sign3A_454 : i32
        %sign3A_456 = arith.extui %sign3A_455 : i1 to i32
        %sign3A_457 = arith.constant 0 : i32
        %sign3A_458 = arith.cmpi slt, %jit3A_445, %sign3A_457 : i32
        %sign3A_459 = arith.extui %sign3A_458 : i1 to i32
        %sign3A_460 = arith.subi %sign3A_456, %sign3A_459 : i32
        %ne3A_461 = arith.cmpi ne, %sign3A_453, %sign3A_460 : i32
        %rem3A_462 = arith.remsi %add3A_253, %jit3A_445 : i32
        %ne3A_463 = arith.constant 0 : i32
        %ne3A_464 = arith.cmpi ne, %rem3A_462, %ne3A_463 : i32
        %and3A_465 = arith.andi %ne3A_461, %ne3A_464 : i1
        %sub3A_466 = arith.constant 1 : i32
        %sub3A_467 = arith.subi %div3A_446, %sub3A_466 : i32
        %select_n3A_468 = arith.select %and3A_465, %sub3A_467, %div3A_446 : i32
        %jit3A_469 = arith.constant 4 : i32
        %eq3A_470 = arith.constant 0 : i32
        %eq3A_471 = arith.cmpi eq, %jit3A_469, %eq3A_470 : i32
        %jit3A_472 = arith.constant 1 : i32
        %select_n3A_473 = arith.select %eq3A_471, %jit3A_472, %jit3A_469 : i32
        %rem3A_474 = arith.remsi %add3A_253, %select_n3A_473 : i32
        %ne3A_475 = arith.constant 0 : i32
        %ne3A_476 = arith.cmpi ne, %rem3A_474, %ne3A_475 : i32
        %lt3A_477 = arith.constant 0 : i32
        %lt3A_478 = arith.cmpi slt, %rem3A_474, %lt3A_477 : i32
        %lt3A_479 = arith.constant 0 : i32
        %lt3A_480 = arith.cmpi slt, %select_n3A_473, %lt3A_479 : i32
        %ne3A_481 = arith.xori %lt3A_478, %lt3A_480 : i1
        %and3A_482 = arith.andi %ne3A_481, %ne3A_476 : i1
        %add3A_483 = arith.addi %rem3A_474, %select_n3A_473 : i32
        %select_n3A_484 = arith.select %and3A_482, %add3A_483, %rem3A_474 : i32
        %ne3A_485 = arith.cmpi ne, %select_n3A_428, %select_n3A_468 : i32
        %ne3A_486 = arith.cmpi ne, %add3A_236, %add3A_254 : i32
        %ne3A_487 = arith.cmpi ne, %select_n3A_444, %select_n3A_484 : i32
        %or3A_488 = arith.constant false
        %or3A_489 = arith.ori %or3A_488, %ne3A_485 : i1
        %or3A_490 = arith.ori %or3A_489, %ne3A_486 : i1
        %or3A_491 = arith.ori %or3A_490, %ne3A_487 : i1
        %or3A_492 = arith.ori %or3A_491, %eq3A_231 : i1
        %convert_element_type3A_493 = arith.extui %or3A_492 : i1 to i32
        %cond3A_494 = arith.constant 0 : i32
        %cond3A_495 = arith.cmpi ne, %convert_element_type3A_493, %cond3A_494 : i32
        scf.if %cond3A_495 {
        } else {
        }
        %rem3A_496 = arith.constant 2 : i32
        %rem3A_497 = arith.remui %scan3A_225, %rem3A_496 : i32
        %rem3A_498 = arith.constant 2 : i32
        %rem3A_499 = arith.remui %scan3A_226, %rem3A_498 : i32
        %run_scoped3A_500 = arith.constant 0 : i32
        %run_scoped3A_501 = arith.constant 0 : i32
        "tpu.trace_start"() <{level = 10 : i32, message = "ep_run_kernel"}> : () -> ()
        "tpu.region"() ({
          %run_scoped3A_744 = tpu.sem_alloc : memref<!tpu.dma_semaphore, #tpu.memory_space<semaphore_mem>>
          %dma_start3A_745 = arith.constant 0 : i32
          %dma_start3A_746 = arith.constant 0 : i32
          %dma_start3A_747 = arith.constant 0 : i32
          %dma_start3A_748 = tpu.memref_slice %run_scoped3A_8[%rem3A_499, %dma_start3A_745, %dma_start3A_746, %dma_start3A_747] : memref<2x1x128x32xf32, #tpu.memory_space<vmem>> -> memref<1x1x128x32xf32, #tpu.memory_space<vmem>>
          %dma_start3A_749 = tpu.memref_squeeze %dma_start3A_748 : memref<1x1x128x32xf32, #tpu.memory_space<vmem>> -> memref<1x128x32xf32, #tpu.memory_space<vmem>>
          %dma_start3A_750 = arith.constant 0 : i32
          %dma_start3A_751 = arith.constant 0 : i32
          %dma_start3A_752 = tpu.memref_slice %dma_start3A_749[%run_scoped3A_501, %dma_start3A_750, %dma_start3A_751] : memref<1x128x32xf32, #tpu.memory_space<vmem>> -> memref<1x128x32xf32, #tpu.memory_space<vmem>>
          %dma_start3A_753 = tpu.memref_squeeze %dma_start3A_752 : memref<1x128x32xf32, #tpu.memory_space<vmem>> -> memref<128x32xf32, #tpu.memory_space<vmem>>
          %dma_start3A_754 = arith.constant 0 : i32
          %dma_start3A_755 = arith.constant 0 : i32
          %dma_start3A_756 = tpu.memref_slice %run_scoped3A[%rem3A_497, %dma_start3A_754, %dma_start3A_755] : memref<2x1x128xi32, #tpu.memory_space<vmem>> -> memref<1x1x128xi32, #tpu.memory_space<vmem>>
          %dma_start3A_757 = tpu.memref_squeeze %dma_start3A_756 : memref<1x1x128xi32, #tpu.memory_space<vmem>> -> memref<1x128xi32, #tpu.memory_space<vmem>>
          %dma_start3A_758 = arith.constant 0 : i32
          %dma_start3A_759 = tpu.memref_slice %dma_start3A_757[%run_scoped3A_500, %dma_start3A_758] : memref<1x128xi32, #tpu.memory_space<vmem>> -> memref<1x128xi32, #tpu.memory_space<vmem>>
          %dma_start3A_760 = tpu.memref_squeeze %dma_start3A_759 : memref<1x128xi32, #tpu.memory_space<vmem>> -> memref<128xi32, #tpu.memory_space<vmem>>
          %dma_start3A_761 = arith.constant 0 : i32
          %dma_start3A_762 = arith.constant 0 : i32
          %dma_start3A_763 = tpu.memref_slice %arg2[%dma_start3A_761, %dma_start3A_762] : memref<4000000x32xf32, #tpu.memory_space<hbm>> -> memref<4000000x32xf32, #tpu.memory_space<hbm>>
          tpu.enqueue_indirect_dma source(%dma_start3A_763 : memref<4000000x32xf32, #tpu.memory_space<hbm>>) target(%dma_start3A_753 : memref<128x32xf32, #tpu.memory_space<vmem>>) offsets(%dma_start3A_760 : memref<128xi32, #tpu.memory_space<vmem>>) semaphore(%run_scoped3A_744 : memref<!tpu.dma_semaphore, #tpu.memory_space<semaphore_mem>>)
          %dma_wait3A_764 = arith.constant 0 : i32
          %dma_wait3A_765 = arith.constant 0 : i32
          %dma_wait3A_766 = arith.constant 0 : i32
          %dma_wait3A_767 = tpu.memref_slice %run_scoped3A_8[%rem3A_499, %dma_wait3A_764, %dma_wait3A_765, %dma_wait3A_766] : memref<2x1x128x32xf32, #tpu.memory_space<vmem>> -> memref<1x1x128x32xf32, #tpu.memory_space<vmem>>
          %dma_wait3A_768 = tpu.memref_squeeze %dma_wait3A_767 : memref<1x1x128x32xf32, #tpu.memory_space<vmem>> -> memref<1x128x32xf32, #tpu.memory_space<vmem>>
          %dma_wait3A_769 = arith.constant 0 : i32
          %dma_wait3A_770 = arith.constant 0 : i32
          %dma_wait3A_771 = tpu.memref_slice %dma_wait3A_768[%run_scoped3A_501, %dma_wait3A_769, %dma_wait3A_770] : memref<1x128x32xf32, #tpu.memory_space<vmem>> -> memref<1x128x32xf32, #tpu.memory_space<vmem>>
          %dma_wait3A_772 = tpu.memref_squeeze %dma_wait3A_771 : memref<1x128x32xf32, #tpu.memory_space<vmem>> -> memref<128x32xf32, #tpu.memory_space<vmem>>
          %dma_wait3A_773 = arith.constant 0 : i32
          %dma_wait3A_774 = arith.constant 0 : i32
          %dma_wait3A_775 = tpu.memref_slice %run_scoped3A[%rem3A_497, %dma_wait3A_773, %dma_wait3A_774] : memref<2x1x128xi32, #tpu.memory_space<vmem>> -> memref<1x1x128xi32, #tpu.memory_space<vmem>>
          %dma_wait3A_776 = tpu.memref_squeeze %dma_wait3A_775 : memref<1x1x128xi32, #tpu.memory_space<vmem>> -> memref<1x128xi32, #tpu.memory_space<vmem>>
          %dma_wait3A_777 = arith.constant 0 : i32
          %dma_wait3A_778 = tpu.memref_slice %dma_wait3A_776[%run_scoped3A_500, %dma_wait3A_777] : memref<1x128xi32, #tpu.memory_space<vmem>> -> memref<1x128xi32, #tpu.memory_space<vmem>>
          %dma_wait3A_779 = tpu.memref_squeeze %dma_wait3A_778 : memref<1x128xi32, #tpu.memory_space<vmem>> -> memref<128xi32, #tpu.memory_space<vmem>>
          %dma_wait3A_780 = arith.constant 0 : i32
          %dma_wait3A_781 = arith.constant 0 : i32
          %dma_wait3A_782 = tpu.memref_slice %arg2[%dma_wait3A_780, %dma_wait3A_781] : memref<4000000x32xf32, #tpu.memory_space<hbm>> -> memref<4000000x32xf32, #tpu.memory_space<hbm>>
          tpu.wait_indirect_dma semaphore(%run_scoped3A_744 : memref<!tpu.dma_semaphore, #tpu.memory_space<semaphore_mem>>) src(%dma_wait3A_782 : memref<4000000x32xf32, #tpu.memory_space<hbm>>) dst(%dma_wait3A_772 : memref<128x32xf32, #tpu.memory_space<vmem>>)
          tpu.yield
        }) : () -> ()
        "tpu.trace_stop"() : () -> ()
        %ne3A_502 = arith.cmpi ne, %add3A_235, %add3A_271 : i32
        %ne3A_503 = arith.cmpi ne, %add3A_236, %add3A_272 : i32
        %or3A_504 = arith.constant false
        %or3A_505 = arith.ori %or3A_504, %ne3A_502 : i1
        %or3A_506 = arith.ori %or3A_505, %ne3A_503 : i1
        %or3A_507 = arith.ori %or3A_506, %eq3A_233 : i1
        %convert_element_type3A_508 = arith.extui %or3A_507 : i1 to i32
        %cond3A_509 = arith.constant 0 : i32
        %cond3A_510 = arith.cmpi ne, %convert_element_type3A_508, %cond3A_509 : i32
        scf.if %cond3A_510 {
        } else {
        }
        %and3A_511 = arith.constant false
        %and3A_512 = arith.andi %or3A_507, %and3A_511 : i1
        %jit3A_513 = arith.constant 4 : i32
        %div3A_514 = arith.divsi %add3A_235, %jit3A_513 : i32
        %sign3A_515 = arith.constant 0 : i32
        %sign3A_516 = arith.cmpi sgt, %add3A_235, %sign3A_515 : i32
        %sign3A_517 = arith.extui %sign3A_516 : i1 to i32
        %sign3A_518 = arith.constant 0 : i32
        %sign3A_519 = arith.cmpi slt, %add3A_235, %sign3A_518 : i32
        %sign3A_520 = arith.extui %sign3A_519 : i1 to i32
        %sign3A_521 = arith.subi %sign3A_517, %sign3A_520 : i32
        %sign3A_522 = arith.constant 0 : i32
        %sign3A_523 = arith.cmpi sgt, %jit3A_513, %sign3A_522 : i32
        %sign3A_524 = arith.extui %sign3A_523 : i1 to i32
        %sign3A_525 = arith.constant 0 : i32
        %sign3A_526 = arith.cmpi slt, %jit3A_513, %sign3A_525 : i32
        %sign3A_527 = arith.extui %sign3A_526 : i1 to i32
        %sign3A_528 = arith.subi %sign3A_524, %sign3A_527 : i32
        %ne3A_529 = arith.cmpi ne, %sign3A_521, %sign3A_528 : i32
        %rem3A_530 = arith.remsi %add3A_235, %jit3A_513 : i32
        %ne3A_531 = arith.constant 0 : i32
        %ne3A_532 = arith.cmpi ne, %rem3A_530, %ne3A_531 : i32
        %and3A_533 = arith.andi %ne3A_529, %ne3A_532 : i1
        %sub3A_534 = arith.constant 1 : i32
        %sub3A_535 = arith.subi %div3A_514, %sub3A_534 : i32
        %select_n3A_536 = arith.select %and3A_533, %sub3A_535, %div3A_514 : i32
        %jit3A_537 = arith.constant 4 : i32
        %eq3A_538 = arith.constant 0 : i32
        %eq3A_539 = arith.cmpi eq, %jit3A_537, %eq3A_538 : i32
        %jit3A_540 = arith.constant 1 : i32
        %select_n3A_541 = arith.select %eq3A_539, %jit3A_540, %jit3A_537 : i32
        %rem3A_542 = arith.remsi %add3A_235, %select_n3A_541 : i32
        %ne3A_543 = arith.constant 0 : i32
        %ne3A_544 = arith.cmpi ne, %rem3A_542, %ne3A_543 : i32
        %lt3A_545 = arith.constant 0 : i32
        %lt3A_546 = arith.cmpi slt, %rem3A_542, %lt3A_545 : i32
        %lt3A_547 = arith.constant 0 : i32
        %lt3A_548 = arith.cmpi slt, %select_n3A_541, %lt3A_547 : i32
        %ne3A_549 = arith.xori %lt3A_546, %lt3A_548 : i1
        %and3A_550 = arith.andi %ne3A_549, %ne3A_544 : i1
        %add3A_551 = arith.addi %rem3A_542, %select_n3A_541 : i32
        %select_n3A_552 = arith.select %and3A_550, %add3A_551, %rem3A_542 : i32
        %jit3A_553 = arith.constant 4 : i32
        %div3A_554 = arith.divsi %add3A_271, %jit3A_553 : i32
        %sign3A_555 = arith.constant 0 : i32
        %sign3A_556 = arith.cmpi sgt, %add3A_271, %sign3A_555 : i32
        %sign3A_557 = arith.extui %sign3A_556 : i1 to i32
        %sign3A_558 = arith.constant 0 : i32
        %sign3A_559 = arith.cmpi slt, %add3A_271, %sign3A_558 : i32
        %sign3A_560 = arith.extui %sign3A_559 : i1 to i32
        %sign3A_561 = arith.subi %sign3A_557, %sign3A_560 : i32
        %sign3A_562 = arith.constant 0 : i32
        %sign3A_563 = arith.cmpi sgt, %jit3A_553, %sign3A_562 : i32
        %sign3A_564 = arith.extui %sign3A_563 : i1 to i32
        %sign3A_565 = arith.constant 0 : i32
        %sign3A_566 = arith.cmpi slt, %jit3A_553, %sign3A_565 : i32
        %sign3A_567 = arith.extui %sign3A_566 : i1 to i32
        %sign3A_568 = arith.subi %sign3A_564, %sign3A_567 : i32
        %ne3A_569 = arith.cmpi ne, %sign3A_561, %sign3A_568 : i32
        %rem3A_570 = arith.remsi %add3A_271, %jit3A_553 : i32
        %ne3A_571 = arith.constant 0 : i32
        %ne3A_572 = arith.cmpi ne, %rem3A_570, %ne3A_571 : i32
        %and3A_573 = arith.andi %ne3A_569, %ne3A_572 : i1
        %sub3A_574 = arith.constant 1 : i32
        %sub3A_575 = arith.subi %div3A_554, %sub3A_574 : i32
        %select_n3A_576 = arith.select %and3A_573, %sub3A_575, %div3A_554 : i32
        %jit3A_577 = arith.constant 4 : i32
        %eq3A_578 = arith.constant 0 : i32
        %eq3A_579 = arith.cmpi eq, %jit3A_577, %eq3A_578 : i32
        %jit3A_580 = arith.constant 1 : i32
        %select_n3A_581 = arith.select %eq3A_579, %jit3A_580, %jit3A_577 : i32
        %rem3A_582 = arith.remsi %add3A_271, %select_n3A_581 : i32
        %ne3A_583 = arith.constant 0 : i32
        %ne3A_584 = arith.cmpi ne, %rem3A_582, %ne3A_583 : i32
        %lt3A_585 = arith.constant 0 : i32
        %lt3A_586 = arith.cmpi slt, %rem3A_582, %lt3A_585 : i32
        %lt3A_587 = arith.constant 0 : i32
        %lt3A_588 = arith.cmpi slt, %select_n3A_581, %lt3A_587 : i32
        %ne3A_589 = arith.xori %lt3A_586, %lt3A_588 : i1
        %and3A_590 = arith.andi %ne3A_589, %ne3A_584 : i1
        %add3A_591 = arith.addi %rem3A_582, %select_n3A_581 : i32
        %select_n3A_592 = arith.select %and3A_590, %add3A_591, %rem3A_582 : i32
        %ne3A_593 = arith.cmpi ne, %select_n3A_536, %select_n3A_576 : i32
        %ne3A_594 = arith.cmpi ne, %add3A_236, %add3A_272 : i32
        %ne3A_595 = arith.cmpi ne, %select_n3A_552, %select_n3A_592 : i32
        %or3A_596 = arith.constant false
        %or3A_597 = arith.ori %or3A_596, %ne3A_593 : i1
        %or3A_598 = arith.ori %or3A_597, %ne3A_594 : i1
        %or3A_599 = arith.ori %or3A_598, %ne3A_595 : i1
        %or3A_600 = arith.ori %or3A_599, %eq3A_233 : i1
        %convert_element_type3A_601 = arith.extui %or3A_600 : i1 to i32
        %cond3A_602 = arith.constant 0 : i32
        %cond3A_603 = arith.cmpi ne, %convert_element_type3A_601, %cond3A_602 : i32
        scf.if %cond3A_603 {
          "tpu.trace_start"() <{level = 10 : i32, message = "ep_copy_out"}> : () -> ()
          %rem3A_744 = arith.constant 2 : i32
          %rem3A_745 = arith.remui %scan3A_226, %rem3A_744 : i32
          %jit3A_746 = arith.constant 4 : i32
          %div3A_747 = arith.divsi %add3A_235, %jit3A_746 : i32
          %sign3A_748 = arith.constant 0 : i32
          %sign3A_749 = arith.cmpi sgt, %add3A_235, %sign3A_748 : i32
          %sign3A_750 = arith.extui %sign3A_749 : i1 to i32
          %sign3A_751 = arith.constant 0 : i32
          %sign3A_752 = arith.cmpi slt, %add3A_235, %sign3A_751 : i32
          %sign3A_753 = arith.extui %sign3A_752 : i1 to i32
          %sign3A_754 = arith.subi %sign3A_750, %sign3A_753 : i32
          %sign3A_755 = arith.constant 0 : i32
          %sign3A_756 = arith.cmpi sgt, %jit3A_746, %sign3A_755 : i32
          %sign3A_757 = arith.extui %sign3A_756 : i1 to i32
          %sign3A_758 = arith.constant 0 : i32
          %sign3A_759 = arith.cmpi slt, %jit3A_746, %sign3A_758 : i32
          %sign3A_760 = arith.extui %sign3A_759 : i1 to i32
          %sign3A_761 = arith.subi %sign3A_757, %sign3A_760 : i32
          %ne3A_762 = arith.cmpi ne, %sign3A_754, %sign3A_761 : i32
          %rem3A_763 = arith.remsi %add3A_235, %jit3A_746 : i32
          %ne3A_764 = arith.constant 0 : i32
          %ne3A_765 = arith.cmpi ne, %rem3A_763, %ne3A_764 : i32
          %and3A_766 = arith.andi %ne3A_762, %ne3A_765 : i1
          %sub3A_767 = arith.constant 1 : i32
          %sub3A_768 = arith.subi %div3A_747, %sub3A_767 : i32
          %select_n3A_769 = arith.select %and3A_766, %sub3A_768, %div3A_747 : i32
          %jit3A_770 = arith.constant 4 : i32
          %eq3A_771 = arith.constant 0 : i32
          %eq3A_772 = arith.cmpi eq, %jit3A_770, %eq3A_771 : i32
          %jit3A_773 = arith.constant 1 : i32
          %select_n3A_774 = arith.select %eq3A_772, %jit3A_773, %jit3A_770 : i32
          %rem3A_775 = arith.remsi %add3A_235, %select_n3A_774 : i32
          %ne3A_776 = arith.constant 0 : i32
          %ne3A_777 = arith.cmpi ne, %rem3A_775, %ne3A_776 : i32
          %lt3A_778 = arith.constant 0 : i32
          %lt3A_779 = arith.cmpi slt, %rem3A_775, %lt3A_778 : i32
          %lt3A_780 = arith.constant 0 : i32
          %lt3A_781 = arith.cmpi slt, %select_n3A_774, %lt3A_780 : i32
          %ne3A_782 = arith.xori %lt3A_779, %lt3A_781 : i1
          %and3A_783 = arith.andi %ne3A_782, %ne3A_777 : i1
          %add3A_784 = arith.addi %rem3A_775, %select_n3A_774 : i32
          %select_n3A_785 = arith.select %and3A_783, %add3A_784, %rem3A_775 : i32
          %mul3A_786 = arith.constant 1 : i32
          %mul3A_787 = arith.muli %mul3A_786, %select_n3A_769 : i32
          %mul3A_788 = arith.constant 128 : i32
          %mul3A_789 = arith.muli %mul3A_788, %add3A_236 : i32
          %mul3A_790 = arith.constant 32 : i32
          %mul3A_791 = arith.muli %mul3A_790, %select_n3A_785 : i32
          %dma_start3A_792 = arith.constant 0 : i32
          %dma_start3A_793 = arith.constant 0 : i32
          %dma_start3A_794 = arith.constant 0 : i32
          %dma_start3A_795 = tpu.memref_slice %run_scoped3A_8[%rem3A_745, %dma_start3A_792, %dma_start3A_793, %dma_start3A_794] : memref<2x1x128x32xf32, #tpu.memory_space<vmem>> -> memref<1x1x128x32xf32, #tpu.memory_space<vmem>>
          %dma_start3A_796 = tpu.memref_squeeze %dma_start3A_795 : memref<1x1x128x32xf32, #tpu.memory_space<vmem>> -> memref<1x128x32xf32, #tpu.memory_space<vmem>>
          %dma_start3A_797 = tpu.memref_slice %arg4[%mul3A_787, %mul3A_789, %mul3A_791] : memref<2x16384x128xf32, #tpu.memory_space<hbm>> -> memref<1x128x32xf32, #tpu.memory_space<hbm>>
          %dma_start3A_798 = tpu.memref_slice %run_scoped3A_9[%rem3A_745] : memref<2x!tpu.dma_semaphore, #tpu.memory_space<semaphore_mem>> -> memref<1x!tpu.dma_semaphore, #tpu.memory_space<semaphore_mem>>
          %dma_start3A_799 = tpu.memref_squeeze %dma_start3A_798 : memref<1x!tpu.dma_semaphore, #tpu.memory_space<semaphore_mem>> -> memref<!tpu.dma_semaphore, #tpu.memory_space<semaphore_mem>>
          %dma_start3A_800 = tpu.memref_slice %arg4[%mul3A_787, %mul3A_789, %mul3A_791] : memref<2x16384x128xf32, #tpu.memory_space<hbm>> -> memref<1x128x32xf32, #tpu.memory_space<hbm>>
          %dma_start3A_801 = arith.constant 0 : i32
          %dma_start3A_802 = arith.constant 0 : i32
          %dma_start3A_803 = arith.constant 0 : i32
          %dma_start3A_804 = tpu.memref_slice %run_scoped3A_8[%rem3A_745, %dma_start3A_801, %dma_start3A_802, %dma_start3A_803] : memref<2x1x128x32xf32, #tpu.memory_space<vmem>> -> memref<1x1x128x32xf32, #tpu.memory_space<vmem>>
          %dma_start3A_805 = tpu.memref_squeeze %dma_start3A_804 : memref<1x1x128x32xf32, #tpu.memory_space<vmem>> -> memref<1x128x32xf32, #tpu.memory_space<vmem>>
          tpu.enqueue_dma source(%dma_start3A_805 : memref<1x128x32xf32, #tpu.memory_space<vmem>>) target(%dma_start3A_800 : memref<1x128x32xf32, #tpu.memory_space<hbm>>) target_semaphore(%dma_start3A_799 : memref<!tpu.dma_semaphore, #tpu.memory_space<semaphore_mem>>)
          "tpu.trace_stop"() : () -> ()
        } else {
        }
        %and3A_604 = arith.constant true
        %and3A_605 = arith.andi %or3A_600, %and3A_604 : i1
        %add3A_606 = arith.constant 1 : i32
        %add3A_607 = arith.addi %scan3A_226, %add3A_606 : i32
        %select_n3A_608 = arith.select %and3A_605, %add3A_607, %scan3A_226 : i32
        %ne3A_609 = arith.cmpi ne, %add3A_235, %add3A_253 : i32
        %ne3A_610 = arith.cmpi ne, %add3A_236, %add3A_254 : i32
        %or3A_611 = arith.constant false
        %or3A_612 = arith.ori %or3A_611, %ne3A_609 : i1
        %or3A_613 = arith.ori %or3A_612, %ne3A_610 : i1
        %not3A_614 = arith.constant true
        %not3A_615 = arith.xori %eq3A_231, %not3A_614 : i1
        %and3A_616 = arith.andi %or3A_613, %not3A_615 : i1
        %convert_element_type3A_617 = arith.extui %and3A_616 : i1 to i32
        %cond3A_618 = arith.constant 0 : i32
        %cond3A_619 = arith.cmpi ne, %convert_element_type3A_617, %cond3A_618 : i32
        scf.if %cond3A_619 {
        } else {
        }
        %and3A_620 = arith.constant false
        %and3A_621 = arith.andi %and3A_616, %and3A_620 : i1
        %jit3A_622 = arith.constant 4 : i32
        %div3A_623 = arith.divsi %add3A_235, %jit3A_622 : i32
        %sign3A_624 = arith.constant 0 : i32
        %sign3A_625 = arith.cmpi sgt, %add3A_235, %sign3A_624 : i32
        %sign3A_626 = arith.extui %sign3A_625 : i1 to i32
        %sign3A_627 = arith.constant 0 : i32
        %sign3A_628 = arith.cmpi slt, %add3A_235, %sign3A_627 : i32
        %sign3A_629 = arith.extui %sign3A_628 : i1 to i32
        %sign3A_630 = arith.subi %sign3A_626, %sign3A_629 : i32
        %sign3A_631 = arith.constant 0 : i32
        %sign3A_632 = arith.cmpi sgt, %jit3A_622, %sign3A_631 : i32
        %sign3A_633 = arith.extui %sign3A_632 : i1 to i32
        %sign3A_634 = arith.constant 0 : i32
        %sign3A_635 = arith.cmpi slt, %jit3A_622, %sign3A_634 : i32
        %sign3A_636 = arith.extui %sign3A_635 : i1 to i32
        %sign3A_637 = arith.subi %sign3A_633, %sign3A_636 : i32
        %ne3A_638 = arith.cmpi ne, %sign3A_630, %sign3A_637 : i32
        %rem3A_639 = arith.remsi %add3A_235, %jit3A_622 : i32
        %ne3A_640 = arith.constant 0 : i32
        %ne3A_641 = arith.cmpi ne, %rem3A_639, %ne3A_640 : i32
        %and3A_642 = arith.andi %ne3A_638, %ne3A_641 : i1
        %sub3A_643 = arith.constant 1 : i32
        %sub3A_644 = arith.subi %div3A_623, %sub3A_643 : i32
        %select_n3A_645 = arith.select %and3A_642, %sub3A_644, %div3A_623 : i32
        %jit3A_646 = arith.constant 4 : i32
        %eq3A_647 = arith.constant 0 : i32
        %eq3A_648 = arith.cmpi eq, %jit3A_646, %eq3A_647 : i32
        %jit3A_649 = arith.constant 1 : i32
        %select_n3A_650 = arith.select %eq3A_648, %jit3A_649, %jit3A_646 : i32
        %rem3A_651 = arith.remsi %add3A_235, %select_n3A_650 : i32
        %ne3A_652 = arith.constant 0 : i32
        %ne3A_653 = arith.cmpi ne, %rem3A_651, %ne3A_652 : i32
        %lt3A_654 = arith.constant 0 : i32
        %lt3A_655 = arith.cmpi slt, %rem3A_651, %lt3A_654 : i32
        %lt3A_656 = arith.constant 0 : i32
        %lt3A_657 = arith.cmpi slt, %select_n3A_650, %lt3A_656 : i32
        %ne3A_658 = arith.xori %lt3A_655, %lt3A_657 : i1
        %and3A_659 = arith.andi %ne3A_658, %ne3A_653 : i1
        %add3A_660 = arith.addi %rem3A_651, %select_n3A_650 : i32
        %select_n3A_661 = arith.select %and3A_659, %add3A_660, %rem3A_651 : i32
        %jit3A_662 = arith.constant 4 : i32
        %div3A_663 = arith.divsi %add3A_253, %jit3A_662 : i32
        %sign3A_664 = arith.constant 0 : i32
        %sign3A_665 = arith.cmpi sgt, %add3A_253, %sign3A_664 : i32
        %sign3A_666 = arith.extui %sign3A_665 : i1 to i32
        %sign3A_667 = arith.constant 0 : i32
        %sign3A_668 = arith.cmpi slt, %add3A_253, %sign3A_667 : i32
        %sign3A_669 = arith.extui %sign3A_668 : i1 to i32
        %sign3A_670 = arith.subi %sign3A_666, %sign3A_669 : i32
        %sign3A_671 = arith.constant 0 : i32
        %sign3A_672 = arith.cmpi sgt, %jit3A_662, %sign3A_671 : i32
        %sign3A_673 = arith.extui %sign3A_672 : i1 to i32
        %sign3A_674 = arith.constant 0 : i32
        %sign3A_675 = arith.cmpi slt, %jit3A_662, %sign3A_674 : i32
        %sign3A_676 = arith.extui %sign3A_675 : i1 to i32
        %sign3A_677 = arith.subi %sign3A_673, %sign3A_676 : i32
        %ne3A_678 = arith.cmpi ne, %sign3A_670, %sign3A_677 : i32
        %rem3A_679 = arith.remsi %add3A_253, %jit3A_662 : i32
        %ne3A_680 = arith.constant 0 : i32
        %ne3A_681 = arith.cmpi ne, %rem3A_679, %ne3A_680 : i32
        %and3A_682 = arith.andi %ne3A_678, %ne3A_681 : i1
        %sub3A_683 = arith.constant 1 : i32
        %sub3A_684 = arith.subi %div3A_663, %sub3A_683 : i32
        %select_n3A_685 = arith.select %and3A_682, %sub3A_684, %div3A_663 : i32
        %jit3A_686 = arith.constant 4 : i32
        %eq3A_687 = arith.constant 0 : i32
        %eq3A_688 = arith.cmpi eq, %jit3A_686, %eq3A_687 : i32
        %jit3A_689 = arith.constant 1 : i32
        %select_n3A_690 = arith.select %eq3A_688, %jit3A_689, %jit3A_686 : i32
        %rem3A_691 = arith.remsi %add3A_253, %select_n3A_690 : i32
        %ne3A_692 = arith.constant 0 : i32
        %ne3A_693 = arith.cmpi ne, %rem3A_691, %ne3A_692 : i32
        %lt3A_694 = arith.constant 0 : i32
        %lt3A_695 = arith.cmpi slt, %rem3A_691, %lt3A_694 : i32
        %lt3A_696 = arith.constant 0 : i32
        %lt3A_697 = arith.cmpi slt, %select_n3A_690, %lt3A_696 : i32
        %ne3A_698 = arith.xori %lt3A_695, %lt3A_697 : i1
        %and3A_699 = arith.andi %ne3A_698, %ne3A_693 : i1
        %add3A_700 = arith.addi %rem3A_691, %select_n3A_690 : i32
        %select_n3A_701 = arith.select %and3A_699, %add3A_700, %rem3A_691 : i32
        %ne3A_702 = arith.cmpi ne, %select_n3A_645, %select_n3A_685 : i32
        %ne3A_703 = arith.cmpi ne, %add3A_236, %add3A_254 : i32
        %ne3A_704 = arith.cmpi ne, %select_n3A_661, %select_n3A_701 : i32
        %or3A_705 = arith.constant false
        %or3A_706 = arith.ori %or3A_705, %ne3A_702 : i1
        %or3A_707 = arith.ori %or3A_706, %ne3A_703 : i1
        %or3A_708 = arith.ori %or3A_707, %ne3A_704 : i1
        %not3A_709 = arith.constant true
        %not3A_710 = arith.xori %eq3A_231, %not3A_709 : i1
        %and3A_711 = arith.andi %or3A_708, %not3A_710 : i1
        %convert_element_type3A_712 = arith.extui %and3A_711 : i1 to i32
        %cond3A_713 = arith.constant 0 : i32
        %cond3A_714 = arith.cmpi ne, %convert_element_type3A_712, %cond3A_713 : i32
        scf.if %cond3A_714 {
          "tpu.trace_start"() <{level = 10 : i32, message = "ep_wait_out"}> : () -> ()
          %rem3A_744 = arith.constant 2 : i32
          %rem3A_745 = arith.remui %scan3A_227, %rem3A_744 : i32
          %jit3A_746 = arith.constant 4 : i32
          %div3A_747 = arith.divsi %add3A_253, %jit3A_746 : i32
          %sign3A_748 = arith.constant 0 : i32
          %sign3A_749 = arith.cmpi sgt, %add3A_253, %sign3A_748 : i32
          %sign3A_750 = arith.extui %sign3A_749 : i1 to i32
          %sign3A_751 = arith.constant 0 : i32
          %sign3A_752 = arith.cmpi slt, %add3A_253, %sign3A_751 : i32
          %sign3A_753 = arith.extui %sign3A_752 : i1 to i32
          %sign3A_754 = arith.subi %sign3A_750, %sign3A_753 : i32
          %sign3A_755 = arith.constant 0 : i32
          %sign3A_756 = arith.cmpi sgt, %jit3A_746, %sign3A_755 : i32
          %sign3A_757 = arith.extui %sign3A_756 : i1 to i32
          %sign3A_758 = arith.constant 0 : i32
          %sign3A_759 = arith.cmpi slt, %jit3A_746, %sign3A_758 : i32
          %sign3A_760 = arith.extui %sign3A_759 : i1 to i32
          %sign3A_761 = arith.subi %sign3A_757, %sign3A_760 : i32
          %ne3A_762 = arith.cmpi ne, %sign3A_754, %sign3A_761 : i32
          %rem3A_763 = arith.remsi %add3A_253, %jit3A_746 : i32
          %ne3A_764 = arith.constant 0 : i32
          %ne3A_765 = arith.cmpi ne, %rem3A_763, %ne3A_764 : i32
          %and3A_766 = arith.andi %ne3A_762, %ne3A_765 : i1
          %sub3A_767 = arith.constant 1 : i32
          %sub3A_768 = arith.subi %div3A_747, %sub3A_767 : i32
          %select_n3A_769 = arith.select %and3A_766, %sub3A_768, %div3A_747 : i32
          %jit3A_770 = arith.constant 4 : i32
          %eq3A_771 = arith.constant 0 : i32
          %eq3A_772 = arith.cmpi eq, %jit3A_770, %eq3A_771 : i32
          %jit3A_773 = arith.constant 1 : i32
          %select_n3A_774 = arith.select %eq3A_772, %jit3A_773, %jit3A_770 : i32
          %rem3A_775 = arith.remsi %add3A_253, %select_n3A_774 : i32
          %ne3A_776 = arith.constant 0 : i32
          %ne3A_777 = arith.cmpi ne, %rem3A_775, %ne3A_776 : i32
          %lt3A_778 = arith.constant 0 : i32
          %lt3A_779 = arith.cmpi slt, %rem3A_775, %lt3A_778 : i32
          %lt3A_780 = arith.constant 0 : i32
          %lt3A_781 = arith.cmpi slt, %select_n3A_774, %lt3A_780 : i32
          %ne3A_782 = arith.xori %lt3A_779, %lt3A_781 : i1
          %and3A_783 = arith.andi %ne3A_782, %ne3A_777 : i1
          %add3A_784 = arith.addi %rem3A_775, %select_n3A_774 : i32
          %select_n3A_785 = arith.select %and3A_783, %add3A_784, %rem3A_775 : i32
          %mul3A_786 = arith.constant 1 : i32
          %mul3A_787 = arith.muli %mul3A_786, %select_n3A_769 : i32
          %mul3A_788 = arith.constant 128 : i32
          %mul3A_789 = arith.muli %mul3A_788, %add3A_254 : i32
          %mul3A_790 = arith.constant 32 : i32
          %mul3A_791 = arith.muli %mul3A_790, %select_n3A_785 : i32
          %dma_wait3A_792 = arith.constant 0 : i32
          %dma_wait3A_793 = arith.constant 0 : i32
          %dma_wait3A_794 = arith.constant 0 : i32
          %dma_wait3A_795 = tpu.memref_slice %run_scoped3A_8[%rem3A_745, %dma_wait3A_792, %dma_wait3A_793, %dma_wait3A_794] : memref<2x1x128x32xf32, #tpu.memory_space<vmem>> -> memref<1x1x128x32xf32, #tpu.memory_space<vmem>>
          %dma_wait3A_796 = tpu.memref_squeeze %dma_wait3A_795 : memref<1x1x128x32xf32, #tpu.memory_space<vmem>> -> memref<1x128x32xf32, #tpu.memory_space<vmem>>
          %dma_wait3A_797 = tpu.memref_slice %arg4[%mul3A_787, %mul3A_789, %mul3A_791] : memref<2x16384x128xf32, #tpu.memory_space<hbm>> -> memref<1x128x32xf32, #tpu.memory_space<hbm>>
          %dma_wait3A_798 = tpu.memref_slice %run_scoped3A_9[%rem3A_745] : memref<2x!tpu.dma_semaphore, #tpu.memory_space<semaphore_mem>> -> memref<1x!tpu.dma_semaphore, #tpu.memory_space<semaphore_mem>>
          %dma_wait3A_799 = tpu.memref_squeeze %dma_wait3A_798 : memref<1x!tpu.dma_semaphore, #tpu.memory_space<semaphore_mem>> -> memref<!tpu.dma_semaphore, #tpu.memory_space<semaphore_mem>>
          %dma_wait3A_800 = tpu.memref_slice %arg4[%mul3A_787, %mul3A_789, %mul3A_791] : memref<2x16384x128xf32, #tpu.memory_space<hbm>> -> memref<1x128x32xf32, #tpu.memory_space<hbm>>
          %dma_wait3A_801 = arith.constant 0 : i32
          %dma_wait3A_802 = arith.constant 0 : i32
          %dma_wait3A_803 = arith.constant 0 : i32
          %dma_wait3A_804 = tpu.memref_slice %run_scoped3A_8[%rem3A_745, %dma_wait3A_801, %dma_wait3A_802, %dma_wait3A_803] : memref<2x1x128x32xf32, #tpu.memory_space<vmem>> -> memref<1x1x128x32xf32, #tpu.memory_space<vmem>>
          %dma_wait3A_805 = tpu.memref_squeeze %dma_wait3A_804 : memref<1x1x128x32xf32, #tpu.memory_space<vmem>> -> memref<1x128x32xf32, #tpu.memory_space<vmem>>
          tpu.wait_dma2 semaphore(%dma_wait3A_799 : memref<!tpu.dma_semaphore, #tpu.memory_space<semaphore_mem>>) src(%dma_wait3A_805 : memref<1x128x32xf32, #tpu.memory_space<vmem>>) dst(%dma_wait3A_800 : memref<1x128x32xf32, #tpu.memory_space<hbm>>)
          "tpu.trace_stop"() : () -> ()
        } else {
        }
        %and3A_715 = arith.constant true
        %and3A_716 = arith.andi %and3A_711, %and3A_715 : i1
        %add3A_717 = arith.constant 1 : i32
        %add3A_718 = arith.addi %scan3A_227, %add3A_717 : i32
        %select_n3A_719 = arith.select %and3A_716, %add3A_718, %scan3A_227 : i32
        %ne3A_720 = arith.cmpi ne, %add3A_235, %add3A_271 : i32
        %ne3A_721 = arith.cmpi ne, %add3A_236, %add3A_272 : i32
        %or3A_722 = arith.constant false
        %or3A_723 = arith.ori %or3A_722, %ne3A_720 : i1
        %or3A_724 = arith.ori %or3A_723, %ne3A_721 : i1
        %or3A_725 = arith.ori %or3A_724, %eq3A_233 : i1
        %add3A_726 = arith.constant 1 : i32
        %add3A_727 = arith.addi %scan3A_225, %add3A_726 : i32
        %select_n3A_728 = arith.select %or3A_725, %add3A_727, %scan3A_225 : i32
        %add3A_729 = arith.constant 1 : i32
        %add3A_730 = arith.addi %scan3A_229, %add3A_729 : i32
        %select_n3A_731 = arith.constant true
        %select_n3A_732 = arith.select %select_n3A_731, %add3A_730, %scan3A_229 : i32
        %eq3A_733 = arith.constant 4 : i32
        %eq3A_734 = arith.cmpi eq, %select_n3A_732, %eq3A_733 : i32
        %select_n3A_735 = arith.constant 0 : i32
        %select_n3A_736 = arith.select %eq3A_734, %select_n3A_735, %select_n3A_732 : i32
        %add3A_737 = arith.constant 1 : i32
        %add3A_738 = arith.addi %scan3A_228, %add3A_737 : i32
        %select_n3A_739 = arith.select %eq3A_734, %add3A_738, %scan3A_228 : i32
        %eq3A_740 = arith.constant 8 : i32
        %eq3A_741 = arith.cmpi eq, %select_n3A_739, %eq3A_740 : i32
        %select_n3A_742 = arith.constant 0 : i32
        %select_n3A_743 = arith.select %eq3A_741, %select_n3A_742, %select_n3A_739 : i32
        scf.yield %select_n3A_303, %select_n3A_728, %select_n3A_608, %select_n3A_719, %select_n3A_743, %select_n3A_736 : i32, i32, i32, i32, i32, i32
      }
      %scan3A_96 = arith.constant 32 : i32
      %sub3A = arith.constant 1 : i32
      %sub3A_97 = arith.subi %scan3A_95#5, %sub3A : i32
      %select_n3A_98 = arith.constant true
      %select_n3A_99 = arith.select %select_n3A_98, %sub3A_97, %scan3A_95#5 : i32
      %eq3A_100 = arith.constant -1 : i32
      %eq3A_101 = arith.cmpi eq, %select_n3A_99, %eq3A_100 : i32
      %select_n3A_102 = arith.constant 3 : i32
      %select_n3A_103 = arith.select %eq3A_101, %select_n3A_102, %select_n3A_99 : i32
      %sub3A_104 = arith.constant 1 : i32
      %sub3A_105 = arith.subi %scan3A_95#4, %sub3A_104 : i32
      %select_n3A_106 = arith.select %eq3A_101, %sub3A_105, %scan3A_95#4 : i32
      %eq3A_107 = arith.constant -1 : i32
      %eq3A_108 = arith.cmpi eq, %select_n3A_106, %eq3A_107 : i32
      %select_n3A_109 = arith.constant 7 : i32
      %select_n3A_110 = arith.select %eq3A_108, %select_n3A_109, %select_n3A_106 : i32
      %add3A_111 = arith.constant 0 : i32
      %add3A_112 = arith.addi %select_n3A_110, %add3A_111 : i32
      %add3A_113 = arith.addi %select_n3A_103, %mul3A_6 : i32
      %sub3A_114 = arith.constant 1 : i32
      %sub3A_115 = arith.subi %select_n3A_103, %sub3A_114 : i32
      %select_n3A_116 = arith.constant true
      %select_n3A_117 = arith.select %select_n3A_116, %sub3A_115, %select_n3A_103 : i32
      %eq3A_118 = arith.constant -1 : i32
      %eq3A_119 = arith.cmpi eq, %select_n3A_117, %eq3A_118 : i32
      %select_n3A_120 = arith.constant 3 : i32
      %select_n3A_121 = arith.select %eq3A_119, %select_n3A_120, %select_n3A_117 : i32
      %sub3A_122 = arith.constant 1 : i32
      %sub3A_123 = arith.subi %select_n3A_110, %sub3A_122 : i32
      %select_n3A_124 = arith.select %eq3A_119, %sub3A_123, %select_n3A_110 : i32
      %eq3A_125 = arith.constant -1 : i32
      %eq3A_126 = arith.cmpi eq, %select_n3A_124, %eq3A_125 : i32
      %select_n3A_127 = arith.constant 7 : i32
      %select_n3A_128 = arith.select %eq3A_126, %select_n3A_127, %select_n3A_124 : i32
      %add3A_129 = arith.constant 0 : i32
      %add3A_130 = arith.addi %select_n3A_128, %add3A_129 : i32
      %add3A_131 = arith.addi %select_n3A_121, %mul3A_6 : i32
      %add3A_132 = arith.constant 1 : i32
      %add3A_133 = arith.addi %select_n3A_103, %add3A_132 : i32
      %select_n3A_134 = arith.constant true
      %select_n3A_135 = arith.select %select_n3A_134, %add3A_133, %select_n3A_103 : i32
      %eq3A_136 = arith.constant 4 : i32
      %eq3A_137 = arith.cmpi eq, %select_n3A_135, %eq3A_136 : i32
      %select_n3A_138 = arith.constant 0 : i32
      %select_n3A_139 = arith.select %eq3A_137, %select_n3A_138, %select_n3A_135 : i32
      %add3A_140 = arith.constant 1 : i32
      %add3A_141 = arith.addi %select_n3A_110, %add3A_140 : i32
      %select_n3A_142 = arith.select %eq3A_137, %add3A_141, %select_n3A_110 : i32
      %eq3A_143 = arith.constant 8 : i32
      %eq3A_144 = arith.cmpi eq, %select_n3A_142, %eq3A_143 : i32
      %select_n3A_145 = arith.constant 0 : i32
      %select_n3A_146 = arith.select %eq3A_144, %select_n3A_145, %select_n3A_142 : i32
      %add3A_147 = arith.constant 0 : i32
      %add3A_148 = arith.addi %select_n3A_146, %add3A_147 : i32
      %add3A_149 = arith.addi %select_n3A_139, %mul3A_6 : i32
      %add3A_150 = arith.constant 1 : i32
      %add3A_151 = arith.addi %select_n3A_139, %add3A_150 : i32
      %select_n3A_152 = arith.constant true
      %select_n3A_153 = arith.select %select_n3A_152, %add3A_151, %select_n3A_139 : i32
      %eq3A_154 = arith.constant 4 : i32
      %eq3A_155 = arith.cmpi eq, %select_n3A_153, %eq3A_154 : i32
      %select_n3A_156 = arith.constant 0 : i32
      %select_n3A_157 = arith.select %eq3A_155, %select_n3A_156, %select_n3A_153 : i32
      %add3A_158 = arith.constant 1 : i32
      %add3A_159 = arith.addi %select_n3A_146, %add3A_158 : i32
      %select_n3A_160 = arith.select %eq3A_155, %add3A_159, %select_n3A_146 : i32
      %eq3A_161 = arith.constant 8 : i32
      %eq3A_162 = arith.cmpi eq, %select_n3A_160, %eq3A_161 : i32
      %select_n3A_163 = arith.constant 0 : i32
      %select_n3A_164 = arith.select %eq3A_162, %select_n3A_163, %select_n3A_160 : i32
      %add3A_165 = arith.constant 0 : i32
      %add3A_166 = arith.addi %select_n3A_164, %add3A_165 : i32
      %add3A_167 = arith.addi %select_n3A_157, %mul3A_6 : i32
      "tpu.trace_start"() <{level = 10 : i32, message = "ep_finalize"}> : () -> ()
      %rem3A_168 = arith.constant 2 : i32
      %rem3A_169 = arith.remui %scan3A_95#3, %rem3A_168 : i32
      %jit3A = arith.constant 4 : i32
      %div3A = arith.divsi %add3A_112, %jit3A : i32
      %sign3A = arith.constant 0 : i32
      %sign3A_170 = arith.cmpi sgt, %add3A_112, %sign3A : i32
      %sign3A_171 = arith.extui %sign3A_170 : i1 to i32
      %sign3A_172 = arith.constant 0 : i32
      %sign3A_173 = arith.cmpi slt, %add3A_112, %sign3A_172 : i32
      %sign3A_174 = arith.extui %sign3A_173 : i1 to i32
      %sign3A_175 = arith.subi %sign3A_171, %sign3A_174 : i32
      %sign3A_176 = arith.constant 0 : i32
      %sign3A_177 = arith.cmpi sgt, %jit3A, %sign3A_176 : i32
      %sign3A_178 = arith.extui %sign3A_177 : i1 to i32
      %sign3A_179 = arith.constant 0 : i32
      %sign3A_180 = arith.cmpi slt, %jit3A, %sign3A_179 : i32
      %sign3A_181 = arith.extui %sign3A_180 : i1 to i32
      %sign3A_182 = arith.subi %sign3A_178, %sign3A_181 : i32
      %ne3A = arith.cmpi ne, %sign3A_175, %sign3A_182 : i32
      %rem3A_183 = arith.remsi %add3A_112, %jit3A : i32
      %ne3A_184 = arith.constant 0 : i32
      %ne3A_185 = arith.cmpi ne, %rem3A_183, %ne3A_184 : i32
      %and3A = arith.andi %ne3A, %ne3A_185 : i1
      %sub3A_186 = arith.constant 1 : i32
      %sub3A_187 = arith.subi %div3A, %sub3A_186 : i32
      %select_n3A_188 = arith.select %and3A, %sub3A_187, %div3A : i32
      %jit3A_189 = arith.constant 4 : i32
      %eq3A_190 = arith.constant 0 : i32
      %eq3A_191 = arith.cmpi eq, %jit3A_189, %eq3A_190 : i32
      %jit3A_192 = arith.constant 1 : i32
      %select_n3A_193 = arith.select %eq3A_191, %jit3A_192, %jit3A_189 : i32
      %rem3A_194 = arith.remsi %add3A_112, %select_n3A_193 : i32
      %ne3A_195 = arith.constant 0 : i32
      %ne3A_196 = arith.cmpi ne, %rem3A_194, %ne3A_195 : i32
      %lt3A = arith.constant 0 : i32
      %lt3A_197 = arith.cmpi slt, %rem3A_194, %lt3A : i32
      %lt3A_198 = arith.constant 0 : i32
      %lt3A_199 = arith.cmpi slt, %select_n3A_193, %lt3A_198 : i32
      %ne3A_200 = arith.xori %lt3A_197, %lt3A_199 : i1
      %and3A_201 = arith.andi %ne3A_200, %ne3A_196 : i1
      %add3A_202 = arith.addi %rem3A_194, %select_n3A_193 : i32
      %select_n3A_203 = arith.select %and3A_201, %add3A_202, %rem3A_194 : i32
      %mul3A_204 = arith.constant 1 : i32
      %mul3A_205 = arith.muli %mul3A_204, %select_n3A_188 : i32
      %mul3A_206 = arith.constant 128 : i32
      %mul3A_207 = arith.muli %mul3A_206, %add3A_113 : i32
      %mul3A_208 = arith.constant 32 : i32
      %mul3A_209 = arith.muli %mul3A_208, %select_n3A_203 : i32
      %dma_wait3A = arith.constant 0 : i32
      %dma_wait3A_210 = arith.constant 0 : i32
      %dma_wait3A_211 = arith.constant 0 : i32
      %dma_wait3A_212 = tpu.memref_slice %run_scoped3A_8[%rem3A_169, %dma_wait3A, %dma_wait3A_210, %dma_wait3A_211] : memref<2x1x128x32xf32, #tpu.memory_space<vmem>> -> memref<1x1x128x32xf32, #tpu.memory_space<vmem>>
      %dma_wait3A_213 = tpu.memref_squeeze %dma_wait3A_212 : memref<1x1x128x32xf32, #tpu.memory_space<vmem>> -> memref<1x128x32xf32, #tpu.memory_space<vmem>>
      %dma_wait3A_214 = tpu.memref_slice %arg4[%mul3A_205, %mul3A_207, %mul3A_209] : memref<2x16384x128xf32, #tpu.memory_space<hbm>> -> memref<1x128x32xf32, #tpu.memory_space<hbm>>
      %dma_wait3A_215 = tpu.memref_slice %run_scoped3A_9[%rem3A_169] : memref<2x!tpu.dma_semaphore, #tpu.memory_space<semaphore_mem>> -> memref<1x!tpu.dma_semaphore, #tpu.memory_space<semaphore_mem>>
      %dma_wait3A_216 = tpu.memref_squeeze %dma_wait3A_215 : memref<1x!tpu.dma_semaphore, #tpu.memory_space<semaphore_mem>> -> memref<!tpu.dma_semaphore, #tpu.memory_space<semaphore_mem>>
      %dma_wait3A_217 = tpu.memref_slice %arg4[%mul3A_205, %mul3A_207, %mul3A_209] : memref<2x16384x128xf32, #tpu.memory_space<hbm>> -> memref<1x128x32xf32, #tpu.memory_space<hbm>>
      %dma_wait3A_218 = arith.constant 0 : i32
      %dma_wait3A_219 = arith.constant 0 : i32
      %dma_wait3A_220 = arith.constant 0 : i32
      %dma_wait3A_221 = tpu.memref_slice %run_scoped3A_8[%rem3A_169, %dma_wait3A_218, %dma_wait3A_219, %dma_wait3A_220] : memref<2x1x128x32xf32, #tpu.memory_space<vmem>> -> memref<1x1x128x32xf32, #tpu.memory_space<vmem>>
      %dma_wait3A_222 = tpu.memref_squeeze %dma_wait3A_221 : memref<1x1x128x32xf32, #tpu.memory_space<vmem>> -> memref<1x128x32xf32, #tpu.memory_space<vmem>>
      tpu.wait_dma2 semaphore(%dma_wait3A_216 : memref<!tpu.dma_semaphore, #tpu.memory_space<semaphore_mem>>) src(%dma_wait3A_222 : memref<1x128x32xf32, #tpu.memory_space<vmem>>) dst(%dma_wait3A_217 : memref<1x128x32xf32, #tpu.memory_space<hbm>>)
      "tpu.trace_stop"() : () -> ()
      tpu.yield
    }) : () -> ()
    return
  }
}

module attributes {stable_mosaic.version = 14 : i64} {
  func.func @_mlp_body(%arg0: i32, %arg1: memref<2x2048x128xf32, #tpu.memory_space<vmem>>, %arg2: memref<128x256xf32, #tpu.memory_space<vmem>>, %arg3: memref<128x256xf32, #tpu.memory_space<vmem>>, %arg4: memref<1x256xf32, #tpu.memory_space<vmem>>, %arg5: memref<256x64xf32, #tpu.memory_space<vmem>>, %arg6: memref<1x64xf32, #tpu.memory_space<vmem>>, %arg7: memref<2048x64xf32, #tpu.memory_space<vmem>>) attributes {dimension_semantics = [#tpu.dimension_semantics<arbitrary>], iteration_bounds = array<i64: 8>, scalar_prefetch = 0 : i64, scratch_operands = 0 : i64, tpu.core_type = #tpu.core_type<tc>, window_params = [{transform_indices = @transform_0, window_bounds = array<i64: 2, 2048, 128>}, {pipeline_mode = #tpu.pipeline_mode<synchronous>, transform_indices = @transform_1, window_bounds = array<i64: 128, 256>}, {pipeline_mode = #tpu.pipeline_mode<synchronous>, transform_indices = @transform_2, window_bounds = array<i64: 128, 256>}, {pipeline_mode = #tpu.pipeline_mode<synchronous>, transform_indices = @transform_3, window_bounds = array<i64: 1, 256>}, {pipeline_mode = #tpu.pipeline_mode<synchronous>, transform_indices = @transform_4, window_bounds = array<i64: 256, 64>}, {pipeline_mode = #tpu.pipeline_mode<synchronous>, transform_indices = @transform_5, window_bounds = array<i64: 1, 64>}, {transform_indices = @transform_6, window_bounds = array<i64: 2048, 64>}]} {
    %get3A = arith.constant 0 : index
    %get3A_0 = arith.constant 0 : index
    %get3A_1 = arith.constant 0 : index
    %get3A_2 = vector.load %arg1[%get3A, %get3A_0, %get3A_1] : memref<2x2048x128xf32, #tpu.memory_space<vmem>>, vector<1x2048x128xf32>
    %get3A_3 = vector.shape_cast %get3A_2 : vector<1x2048x128xf32> to vector<2048x128xf32>
    %get3A_4 = arith.constant 0 : index
    %get3A_5 = arith.constant 0 : index
    %get3A_6 = vector.load %arg2[%get3A_4, %get3A_5] : memref<128x256xf32, #tpu.memory_space<vmem>>, vector<128x256xf32>
    %dot_general3A = arith.constant dense<0.000000e+00> : vector<2048x256xf32>
    %dot_general3A_7 = tpu.matmul %get3A_3, %get3A_6, %dot_general3A {dimension_numbers = #tpu.dot_dimension_numbers<[1], [0], [0], [1], [0, 0, 1, 1], [], []>, transpose_lhs_hint = false} : vector<2048x128xf32>, vector<128x256xf32>, vector<2048x256xf32> -> vector<2048x256xf32>
    %get3A_8 = arith.constant 1 : index
    %get3A_9 = arith.constant 0 : index
    %get3A_10 = arith.constant 0 : index
    %get3A_11 = vector.load %arg1[%get3A_8, %get3A_9, %get3A_10] : memref<2x2048x128xf32, #tpu.memory_space<vmem>>, vector<1x2048x128xf32>
    %get3A_12 = vector.shape_cast %get3A_11 : vector<1x2048x128xf32> to vector<2048x128xf32>
    %get3A_13 = arith.constant 0 : index
    %get3A_14 = arith.constant 0 : index
    %get3A_15 = vector.load %arg3[%get3A_13, %get3A_14] : memref<128x256xf32, #tpu.memory_space<vmem>>, vector<128x256xf32>
    %dot_general3A_16 = arith.constant dense<0.000000e+00> : vector<2048x256xf32>
    %dot_general3A_17 = tpu.matmul %get3A_12, %get3A_15, %dot_general3A_16 {dimension_numbers = #tpu.dot_dimension_numbers<[1], [0], [0], [1], [0, 0, 1, 1], [], []>, transpose_lhs_hint = false} : vector<2048x128xf32>, vector<128x256xf32>, vector<2048x256xf32> -> vector<2048x256xf32>
    %add3A = arith.addf %dot_general3A_7, %dot_general3A_17 : vector<2048x256xf32>
    %get3A_18 = arith.constant 0 : index
    %get3A_19 = arith.constant 0 : index
    %get3A_20 = vector.load %arg4[%get3A_18, %get3A_19] : memref<1x256xf32, #tpu.memory_space<vmem>>, vector<1x256xf32>
    %add3A_21 = vector.broadcast %get3A_20 : vector<1x256xf32> to vector<2048x256xf32>
    %add3A_22 = arith.addf %add3A, %add3A_21 : vector<2048x256xf32>
    %tanh3A = math.tanh %add3A_22 : vector<2048x256xf32>
    %get3A_23 = arith.constant 0 : index
    %get3A_24 = arith.constant 0 : index
    %get3A_25 = vector.load %arg5[%get3A_23, %get3A_24] : memref<256x64xf32, #tpu.memory_space<vmem>>, vector<256x64xf32>
    %dot_general3A_26 = arith.constant dense<0.000000e+00> : vector<2048x64xf32>
    %dot_general3A_27 = tpu.matmul %tanh3A, %get3A_25, %dot_general3A_26 {dimension_numbers = #tpu.dot_dimension_numbers<[1], [0], [0], [1], [0, 0, 1, 1], [], []>, transpose_lhs_hint = false} : vector<2048x256xf32>, vector<256x64xf32>, vector<2048x64xf32> -> vector<2048x64xf32>
    %get3A_28 = arith.constant 0 : index
    %get3A_29 = arith.constant 0 : index
    %get3A_30 = vector.load %arg6[%get3A_28, %get3A_29] : memref<1x64xf32, #tpu.memory_space<vmem>>, vector<1x64xf32>
    %add3A_31 = vector.broadcast %get3A_30 : vector<1x64xf32> to vector<2048x64xf32>
    %add3A_32 = arith.addf %dot_general3A_27, %add3A_31 : vector<2048x64xf32>
    %swap3A = arith.constant 0 : index
    %swap3A_33 = arith.constant 0 : index
    %swap3A_34 = vector.load %arg7[%swap3A, %swap3A_33] : memref<2048x64xf32, #tpu.memory_space<vmem>>, vector<2048x64xf32>
    tpu.vector_store %arg7[%swap3A, %swap3A_33], %add3A_32 {strides = array<i32>} : memref<2048x64xf32, #tpu.memory_space<vmem>>, vector<2048x64xf32>,
    return
  }
  func.func @transform_0(%arg0: i32) -> (i32, i32, i32) {
    %c0_i32 = arith.constant 0 : i32
    %c0_i32_0 = arith.constant 0 : i32
    %c0_i32_1 = arith.constant 0 : i32
    return %c0_i32, %arg0, %c0_i32_0 : i32, i32, i32
  }
  func.func @transform_1(%arg0: i32) -> (i32, i32) {
    %c0_i32 = arith.constant 0 : i32
    %c0_i32_0 = arith.constant 0 : i32
    %c0_i32_1 = arith.constant 0 : i32
    return %c0_i32, %c0_i32_0 : i32, i32
  }
  func.func @transform_2(%arg0: i32) -> (i32, i32) {
    %c0_i32 = arith.constant 0 : i32
    %c0_i32_0 = arith.constant 0 : i32
    %c0_i32_1 = arith.constant 0 : i32
    return %c0_i32, %c0_i32_0 : i32, i32
  }
  func.func @transform_3(%arg0: i32) -> (i32, i32) {
    %c0_i32 = arith.constant 0 : i32
    %c0_i32_0 = arith.constant 0 : i32
    %c0_i32_1 = arith.constant 0 : i32
    return %c0_i32, %c0_i32_0 : i32, i32
  }
  func.func @transform_4(%arg0: i32) -> (i32, i32) {
    %c0_i32 = arith.constant 0 : i32
    %c0_i32_0 = arith.constant 0 : i32
    %c0_i32_1 = arith.constant 0 : i32
    return %c0_i32, %c0_i32_0 : i32, i32
  }
  func.func @transform_5(%arg0: i32) -> (i32, i32) {
    %c0_i32 = arith.constant 0 : i32
    %c0_i32_0 = arith.constant 0 : i32
    %c0_i32_1 = arith.constant 0 : i32
    return %c0_i32, %c0_i32_0 : i32, i32
  }
  func.func @transform_6(%arg0: i32) -> (i32, i32) {
    %c0_i32 = arith.constant 0 : i32
    %c0_i32_0 = arith.constant 0 : i32
    return %arg0, %c0_i32 : i32, i32
  }
}

</mosaic_0001>

<sc_bundles>
// kernel: kernel.4.cloned.1.call-start
scs
__scs_entry_jumppad:
0x0: {  	(pc) =	sbr.rel $0x88, $3  }
0x1: {  	(tag) =	ssettag $0x0;
	lr =	simm.s32 $0x1  }
0x2: {  	[smem:$0x3F9B] =	sst lr;
	_ =	strace $0xD0000000  }
0x3: {  	_ = 	snop  }
0x4: {  	_ = 	snop  }
0x5: {  	_ = 	snop  }
0x6: {  	_ = 	snop  }
0x7: {  	_ = 	snop  }
__scs_overlays_trampoline_lowered:
0x8: {  	[smem:$0x3FAA] =	sst s0  }
0x9: {  	[smem:$0x3FAB] =	sst s1  }
0xa: {  	[smem:$0x3FAC] =	sst s2  }
0xb: {  	[smem:$0x3FAD] =	sst s3  }
0xc: {  	[smem:$0x3FAE] =	sst s4  }
0xd: {  	[smem:$0x3FAF] =	sst s5  }
0xe: {  	[smem:$0x3FB0] =	sst s6  }
0xf: {  	[smem:$0x3FB1] =	sst s7  }
0x10: {  	[smem:$0x3FB2] =	sst s8  }
0x11: {  	[smem:$0x3FB3] =	sst s9;
	s0 =	simm.s32 @!p0 $0x0  }
0x12: {  	s1 =	sld [smem:$0x3F99];
	s0 =	simm.s32 @p0 $0x1  }
0x13: {  	[smem:$0x3FB4] =	sst s0;
	s0 =	simm.s32 @!p1 $0x0  }
0x14: {  	s2 =	sld [smem:$0x3F98];
	s0 =	simm.s32 @p1 $0x1  }
0x15: {  	[smem:$0x3FB5] =	sst s0;
	s0 =	simm.s32 @!p2 $0x0  }
0x16: {  	s3 =	sld [smem:$0x3FDB];
	s0 =	simm.s32 @p2 $0x1  }
0x17: {  	s4 =	simm.s32 $0x1BF5;
	[smem:$0x3FB7] =	sst s0  }
0x18: {  	s0 =	sld [smem:$0x3F9A];
	_ =	swait.ge [sflag:s4], $0x0  }
0x19: {  	s7 =	sld [smem:$0x3F9B]  }
0x1a: {  	s8 =	sadd.s32 $0xFFFFE003, lr  }
0x1b: {  	s9 =	sadd.s32 $0xFFFFFEF7, lr;
	s5 =	simm.s32 $0xFFFFFFFF;
	p2 =	slt.u32 s8, $0xFFFFF086  }
0x1c: {  	p1 =	slt.u32 s9, $0xF7A;
	s5 =	simm.s32 @!p2 $0x0  }
0x1d: {  	s5 =	simm.s32 @p1 $0x1;
	p0 =	seq.s32 s7, s2  }
0x1e: {  	s7 =	smul.u32 @!p0 $0xF7A, s2;
	p2 =	seq.s32 @!p0 s5, $0x0  }
0x1f: {  	s9 =	smul.u32 $0xF7A, s1;
	s8 =	simm.s32 @!p0 $0x1BF5;
	p2 =	por !p2, p0  }
0x20: {  	[sflag:s8] =	ssyncset.s32 @!p0 $0xFFFFF086;
	s6 =	sadd.s32 @!p0 s3, s7;
	s7 =	simm.s32 @!p0 $0x108  }
0x21: {  	s3 =	sadd.s32 s3, s9;
	s6 =	sadd.s32 @!p0 $0x88, s6;
	s7 =	simm.s32 @p2 $0x1082  }
0x22: {  	[simem:s7], [sflag:s8] =	dma.local @!p0 [hbm:s6], $0xF7A  }
0x23: {  	s9 =	sor.u32 $0xD0000000, s2;
	s6 =	simm.s32 $0x108;
	_ =	swait.ge @!p0 [sflag:s8], $0x0  }
0x24: {  	s3 =	sadd.s32 $0x88, s3;
	s6 =	simm.s32 @!p1 $0x1082;
	[sflag:s4] =	ssyncset.s32 $0xFFFFF086  }
0x25: {  	[simem:s6], [sflag:s4] =	dma.local [hbm:s3], $0xF7A  }
0x26: {  	[smem:$0x3F9B] =	sst s1;
	(tag) =	ssettag s2;
	_ =	strace s9  }
0x27: {  	s1 =	sld [smem:$0x3FAB]  }
0x28: {  	s2 =	sld [smem:$0x3FAC]  }
0x29: {  	s4 =	sld [smem:$0x3FAE]  }
0x2a: {  	p0 =	seq.s32 s5, $0x0;
	s5 =	sld [smem:$0x3FAF]  }
0x2b: {  	s6 =	sld [smem:$0x3FB0]  }
0x2c: {  	s7 =	sld [smem:$0x3FB1]  }
0x2d: {  	s3 =	simm.s32 $0x108;
	s8 =	sld [smem:$0x3FB2]  }
0x2e: {  	s3 =	simm.s32 @!p0 $0x1082;
	s9 =	sld [smem:$0x3FB3]  }
0x2f: {  	lr =	sadd.s32 s0, s3;
	s0 =	sld [smem:$0x3FAA]  }
0x30: {  	s3 =	sld [smem:$0x3FAD]  }
0x31: {  	[smem:$0x3FB6] =	sst s10  }
0x32: {  	s10 =	sld [smem:$0x3FB4];
	_ =	sdelay $0x3  }
0x33: {  	p0 =	seq.s32 s10, $0x1;
	s10 =	sld [smem:$0x3FB6];
	_ =	sdelay $0x3  }
0x34: {  	[smem:$0x3FB6] =	sst s10  }
0x35: {  	s10 =	sld [smem:$0x3FB5];
	_ =	sdelay $0x3  }
0x36: {  	p1 =	seq.s32 s10, $0x1;
	s10 =	sld [smem:$0x3FB6];
	_ =	sdelay $0x3  }
0x37: {  	[smem:$0x3FB6] =	sst s10  }
0x38: {  	s10 =	sld [smem:$0x3FB7]  }
0x39: {  	_ = 	snop;
	(pc) =	sbr.ind lr, $3  }
0x3a: {  	_ = 	snop  }
0x3b: {  	_ = 	snop  }
0x3c: {  	p2 =	seq.s32 s10, $0x1;
	s10 =	sld [smem:$0x3FB6]  }
0x3d: {  	_ =	shalt  }
0x3e: {  	_ =	shalt  }
0x3f: {  	_ =	shalt  }
0x40: {  	_ =	shalt  }
0x41: {  	_ =	shalt  }
0x42: {  	_ =	shalt  }
0x43: {  	_ =	shalt  }
0x44: {  	_ =	shalt  }
0x45: {  	_ =	shalt  }
0x46: {  	_ =	shalt  }
0x47: {  	_ =	shalt  }
0x48: {  	_ =	shalt  }
0x49: {  	_ =	shalt  }
0x4a: {  	_ =	shalt  }
0x4b: {  	_ =	shalt  }
0x4c: {  	_ =	shalt  }
0x4d: {  	_ =	shalt  }
0x4e: {  	_ =	shalt  }
0x4f: {  	_ =	shalt  }
0x50: {  	_ =	shalt  }
0x51: {  	_ =	shalt  }
0x52: {  	_ =	shalt  }
0x53: {  	_ =	shalt  }
0x54: {  	_ =	shalt  }
0x55: {  	_ =	shalt  }
0x56: {  	_ =	shalt  }
0x57: {  	_ =	shalt  }
0x58: {  	_ =	shalt  }
0x59: {  	_ =	shalt  }
0x5a: {  	_ =	shalt  }
0x5b: {  	_ =	shalt  }
0x5c: {  	_ =	shalt  }
0x5d: {  	_ =	shalt  }
0x5e: {  	_ =	shalt  }
0x5f: {  	_ =	shalt  }
0x60: {  	_ =	shalt  }
0x61: {  	_ =	shalt  }
0x62: {  	_ =	shalt  }
0x63: {  	_ =	shalt  }
0x64: {  	_ =	shalt  }
0x65: {  	_ =	shalt  }
0x66: {  	_ =	shalt  }
0x67: {  	_ =	shalt  }
0x68: {  	_ =	shalt  }
0x69: {  	_ =	shalt  }
0x6a: {  	_ =	shalt  }
0x6b: {  	_ =	shalt  }
0x6c: {  	_ =	shalt  }
0x6d: {  	_ =	shalt  }
0x6e: {  	_ =	shalt  }
0x6f: {  	_ =	shalt  }
0x70: {  	_ =	shalt  }
0x71: {  	_ =	shalt  }
0x72: {  	_ =	shalt  }
0x73: {  	_ =	shalt  }
0x74: {  	_ =	shalt  }
0x75: {  	_ =	shalt  }
0x76: {  	_ =	shalt  }
0x77: {  	_ =	shalt  }
0x78: {  	_ =	shalt  }
0x79: {  	_ =	shalt  }
0x7a: {  	_ =	shalt  }
0x7b: {  	_ =	shalt  }
0x7c: {  	_ =	shalt  }
0x7d: {  	_ =	shalt  }
0x7e: {  	_ =	shalt  }
0x7f: {  	_ =	shalt  }
0x80: {  	_ =	shalt  }
0x81: {  	_ =	shalt  }
0x82: {  	_ =	shalt  }
0x83: {  	_ =	shalt  }
0x84: {  	_ =	shalt  }
0x85: {  	_ =	shalt  }
0x86: {  	_ =	shalt  }
0x87: {  	_ =	shalt  }
.Lfunc_end0:
.L_simem_size_0:
called_computation.1_lowered:
.L_overlay_start_0:
0x88: {  	s2 =	sld [smem:$0x3FD9]  }
0x89: {  	s3 =	sld [smem:$0x3FFE];
	_ =	sdelay $0x1  }
0x8a: {  	s1 =	srdreg.scid  }
0x8b: {  	s0 =	sand.u32 $0x1, s1  }
0x8c: {  	s17 =	sshll.u32 s0, $0xA;
	s2 =	sadd.s32 s3, s2  }
0x8d: {  	s2 =	sadd.s32 s2, s17  }
0x8e: {  	[smem:$0x3FC2] =	sst s2  }
0x8f: {  	_ = 	snop  }
0x90: {  	s2 =	sld [smem:$0x3FD0];
	(tm) =	ssettm $0x1  }
0x91: {  	s18 =	sld [smem:$0x3FFB];
	_ =	sdelay $0x3  }
0x92: {  	_ =	strace s18  }
0x93: {  	s3 =	sld [smem:$0x3FFC];
	_ =	sdelay $0x3  }
0x94: {  	_ =	strace s3  }
0x95: {  	s3 =	sld [smem:$0x3FFD];
	_ =	sdelay $0x3  }
0x96: {  	_ =	strace s3  }
0x97: {  	_ =	strace $0x8FFFFFFF  }
0x98: {  	s19 =	sld [smem:$0x3FDB];
	_ =	sdelay $0x1  }
0x99: {  	s4 =	simm.s32 $_scs_section_size  }
0x9a: {  	s5 =	simm.s32 $_size__tile_overlayer_lowered;
	s6 =	simm.s32 $_tile_overlayer_lowered  }
0x9b: {  	s22 =	simm.s32 $0x1BFF;
	s21 =	sshll.u32 s6, $0x1;
	s3 =	sadd.s32 s4, s19  }
0x9c: {  	s7 =	simm.s32 $0x0;
	s20 =	sshll.u32 s5, $0x1;
	s5 =	sadd.s32 s21, s3  }
0x9d: {  	[timem:s7], [sflag:s22] =	dma.local [hbm:s5], s20  }
0x9e: {  	_ =	swait.ge [sflag:s22], s20  }
0x9f: {  	s4 =	ssub.s32 $0x0, s20;
	[sflag:s22] =	ssyncset.done $0x0  }
0xa0: {  	[sflag:s22] =	ssyncadd.s32 s4;
	_ =	sdelay $0x1  }
0xa1: {  	s23 =	simm.s32 $0x1B8B  }
0xa2: {  	_ =	swait.ge [sflag:s23], $0x1  }
0xa3: {  	[sflag:s23] =	ssyncset.done $0x0  }
0xa4: {  	s25 =	simm.s32 $0x1B8E;
	s24 =	sld [smem:$0x3FFE];
	[sflag:s23] =	ssyncadd.s32 $0xFFFFFFFF  }
0xa5: {  	s26 =	simm.s32 $execute0_lowered;
	[smem:$0x3FD2] =	sst s25  }
0xa6: {  	s5 =	sshll.u32 s26, $0x1;
	_ =	strace $0x80000049;
	[dreg:$0x1] =	wrdreg $0xFFFFFFFF  }
0xa7: {  	s28 =	simm.s32 $_size_execute0_lowered;
	s3 =	sadd.s32 s3, s5;
	[dreg:$0x0] =	wrdreg $0x0  }
0xa8: {  	s5 =	sshll.u32 s28, $0x1;
	[dreg:$0x2] =	wrdreg s3  }
0xa9: {  	[dreg:$0x3] =	wrdreg s5  }
0xaa: {  	[dreg:$0x4] =	wrdreg $0xC0  }
0xab: {  	_ =	task [dreg:s7], $0x5FFFF  }
0xac: {  	[dreg:$0x1] =	wrdreg $0xFFFFFFFF  }
0xad: {  	[dreg:$0x0] =	wrdreg $0x60  }
0xae: {  	[dreg:$0x2] =	wrdreg s24  }
0xaf: {  	[dreg:$0x3] =	wrdreg s2  }
0xb0: {  	[dreg:$0x4] =	wrdreg $0x9  }
0xb1: {  	_ =	task.clear_ibuf [dreg:s7], $0x5FFFF;
	_ =	strace $0x90000049  }
0xb2: {  	s29 =	simm.s32 $0x9;
	_ =	strace $0x80000052  }
0xb3: {  	_ =	swait.ge [sflag:s29], $0x1  }
0xb4: {  	[sflag:s29] =	ssyncadd.s32 $0xFFFFFFFF  }
0xb5: {  	_ =	strace $0x90000052  }
0xb6: {  	_ =	sfence  }
0xb7: {  	s30 =	sld [smem:$0x0];
	_ =	sdelay $0x2  }
0xb8: {  	s31 =	sshll.u32 s1, $0xD;
	s1 =	sshrl.u32 s1, $0x2  }
0xb9: {  	s3 =	sand.u32 $0x4000, s31;
	s1 =	sadd.s32 s1, s30  }
0xba: {  	s0 =	sor.u32 s3, s0;
	s1 =	sshll.u32 s1, $0x11  }
0xbb: {  	s0 =	sor.u32 s1, s0  }
0xbc: {  	s0 =	sadd.s32 $0x8F2B, s0  }
0xbd: {  	[sflag:s0] =	ssyncadd.remote.s32 $0x1  }
0xbe: {  	_ =	sfence.sel $0xFFFF  }
0xbf: {  	[dreg:$0x0] =	wrdreg $0xFFFFFFFF;
	(pc) =	sbr.abs _section_cstart, $3  }
0xc0: {  	[dreg:$0x1] =	wrdreg $0xFFFFFFFF  }
0xc1: {  	_ =	task.clear_ibuf [dreg:s7], $0x2FFFF;
	_ =	strace $0x9FFFFFFF  }
0xc2: {  	(tm) =	ssettm $0x7FFFFFFF  }
0xc3: {  	_ =	shalt  }
tec
execute0_lowered:
.L_overlay_start_1:
0x0: {  	(tag) =	ssettag $0x1  }
0x1: {  	s4 =	rddreg [dreg:$0x0]  }
0x2: {  	s1 =	rddreg [dreg:$0x1];
	s2 =	simm.s32 $0x0  }
0x3: {  	s5 =	srdreg.scid;
	s0 =	stileid.u32;
	s8 =	simm.s32 $0x80  }
0x4: {  	s9 =	simm.s32 $0x4;
	s10 =	simm.s32 $0x0;
	p5 =	por $0x1, $0x1  }
0x5: {  	[smem:$0x7FF] =	sst s2;
	s3 =	sadd.s32 $0xF43C00, s4;
	s5 =	sand.u32 $0x1, s5  }
0x6: {  	s4 =	sadd.s32 $0x1800, s4;
	_ =	strace $0x8000004A;
	[dreg:$0x3] =	wrdreg s3  }
0x7: {  	s6 =	ssub.s32 $0x2, s5;
	s5 =	sshll.u32 s5, $0x4;
	[dreg:$0x5] =	wrdreg s4  }
0x8: {  	[dreg:$0x4] =	wrdreg s8;
	s7 =	sshrl.u32 s6, $0x1;
	s5 =	sor.u32 s0, s5  }
0x9: {  	s8 =	simm.s32 $0x5;
	s6 =	ssub.s32 s6, s7;
	s31 =	sshll.u32 s5, $0x6  }
0xa: {  	s4 =	sshll.u32 s5, $0x2;
	s5 =	sadd.s32 s1, s31;
	s6 =	smax.u32 s6, $0x1  }
.LBB2_1:
0xb: {  	_ =	strace $0x8000004B  }
0xc: {  	p0 =	por $0x0, $0x0;
	s11 =	simm.s32 $0x1;
	s25 =	simm.s32 $0x0  }
0xd: {  	s12 =	simm.s32 $0x1;
	p2 =	por $0x1, $0x1;
	s15 =	sand.u32 $0x1, s2  }
0xe: {  	s14 =	simm.s32 $0x1;
	s16 =	simm.s32 $0x0;
	s19 =	sand.u32 $0x3, s2  }
0xf: {  	[tilespmem:s2], [sflag:$0x1] =	stream.linear.gather [hbm4b:s5+s2], $0x80, $0x200038;
	[tilespmem:$0x2100] =	vst v63  }
0x10: {  	s0 =	simm.s32 $0x1;
	s22 =	simm.s32 $0x1;
	s11 =	simm.s32 @!p0 $0x0  }
0x11: {  	s23 =	simm.s32 $0x1;
	s29 =	simm.s32 $0x1;
	s13 =	sadd.s32 $0x0, s11  }
0x12: {  	s12 =	simm.s32 @p0 $0x0;
	s26 =	sadd.s32 $0x1, s15;
	p1 =	seq.s32 s13, $0x8  }
0x13: {  	s16 =	sand.u32 $0x80, s16;
	_ =	strace $0x9000004B;
	s13 =	simm.s32 @p1 $0x0  }
0x14: {  	s11 =	sand.u32 $0xFFFFFFFC, s25;
	p0 =	sne.s32 s12, $0x0;
	p1 =	sne.s32 s13, $0x0  }
0x15: {  	p4 =	sne.s32 s11, $0x0;
	s11 =	simm.s32 $0x1F;
	p3 =	por p0, p1  }
0x16: {  	p4 =	por !p2, !p4;
	s28 =	sshra.s32 s13, $0x1F;
	p6 =	por !p5, !p3  }
0x17: {  	p1 =	por !p4, !p4;
	p4 =	slt.s32 s13, $0x1;
	p2 =	por !p6, !p6  }
0x18: {  	s14 =	simm.s32 @!p1 $0x0;
	p1 =	por $0x0, $0x0;
	s17 =	sadd.s32 @p2 s4, s12  }
0x19: {  	s14 =	ssub.s32 $0x0, s14;
	s18 =	sshll.u32 @p2 s13, $0xE;
	s17 =	sshll.u32 @p2 s17, $0x7  }
0x1a: {  	p3 =	por p1, p3;
	s20 =	sand.u32 @p2 $0x1, s0;
	s17 =	sadd.s32 @p2 s17, s18  }
0x1b: {  	_ =	strace @p2 $0x8000004C;
	s21 =	simm.s32 @p2 $0x0;
	s17 =	sshrl.u32 @p2 s17, $0x3  }
0x1c: {  	s18 =	sshll.u32 @p2 s20, $0x7;
	s20 =	sadd.s32 @p2 $0x1, s20;
	s17 =	sadd.s32 @p2 s1, s17  }
0x1d: {  	[tilespmem:s18], [sflag:s20] =	stream.linear.gather @p2 [hbm4b:s17+s21], $0x80, $0x200038;
	[tilespmem:$0x2100] =	vst v63  }
0x1e: {  	s0 =	sand.u32 $0x3, s13;
	s18 =	sshrl.u32 s28, $0x1E;
	_ =	strace @p2 $0x9000004C  }
0x1f: {  	s22 =	simm.s32 @!p3 $0x0;
	s18 =	sadd.s32 s18, s13;
	_ =	strace $0x8000004D  }
0x20: {  	s17 =	simm.s32 $0x1;
	s3 =	sand.u32 $0xFFFFFFFC, s18;
	_ =	swait.ge [sflag:s26], $0x80  }
0x21: {  	s20 =	sadd.s32 $0x0, s22;
	p6 =	sne.s32 s13, s3;
	[sflag:s26] =	ssyncset.done $0x0  }
0x22: {  	s17 =	simm.s32 @!p2 $0x0;
	p3 =	por !p4, !p6;
	[sflag:s26] =	ssyncadd.s32 $0xFFFFFF80  }
0x23: {  	s25 =	sshra.s32 s18, $0x2;
	p2 =	por !p3, !p3;
	_ =	strace $0x9000004D  }
0x24: {  	p6 =	sne.s32 s19, s0;
	s23 =	simm.s32 @!p2 $0x0;
	_ =	strace $0x8000004E  }
0x25: {  	s26 =	sshll.u32 s15, $0xC;
	s25 =	ssub.s32 s25, s23;
	s7 =	rddreg [dreg:$0x3]  }
0x26: {  	s28 =	sor.u32 $0x100, s26;
	s24 =	rddreg [dreg:$0x4];
	p4 =	sne.s32 s14, s25  }
0x27: {  	[tilespmem:s28], [sflag:$0x5] =	stream.indirect.gather [hbm4b:s7+s24], $0x20, s16, s24, $0x2000b8;
	[tilespmem:$0x2100] =	vst v63  }
0x28: {  	s30 =	smov.u32 s13;
	s26 =	sand.u32 $0x1, s20;
	p2 =	por p6, p4  }
0x29: {  	s16 =	sadd.s32 $0x1, s17;
	_ =	swait.ge [sflag:s8], $0x1000;
	p0 =	por p0, p2  }
0x2a: {  	s17 =	sadd.s32 $0x0, s4;
	[sflag:s8] =	ssyncset.done $0x0;
	p1 =	por p1, p0  }
0x2b: {  	[sflag:s8] =	ssyncadd.s32 $0xFFFFF000;
	s14 =	sshll.u32 @p1 s14, $0x15;
	s17 =	sshll.u32 @p1 s17, $0xE  }
0x2c: {  	s19 =	sshll.u32 @p1 s19, $0x5;
	_ =	strace $0x9000004E;
	s17 =	sadd.s32 @p1 s17, s14  }
0x2d: {  	p0 =	por $0x1, $0x1;
	_ =	strace @p1 $0x8000004F;
	s17 =	sor.u32 @p1 s19, s17  }
0x2e: {  	s15 =	sadd.s32 @p1 $0x3, s15;
	s21 =	rddreg [dreg:$0x5];
	s17 =	sshrl.u32 @p1 s17, $0x3  }
0x2f: {  	s22 =	simm.s32 @p1 $0x80;
	s19 =	simm.s32 @p1 $0x20;
	s17 =	sadd.s32 @p1 s21, s17  }
0x30: {  	[hbm4b:s17+s19] =	stream.strided.scatter @p1 [tilespmem:s28], [sflag:s15], $0x1000, s22, s19, $0x200038;
	[tilespmem:$0x2100] =	vst v63  }
0x31: {  	s14 =	sshll.u32 s20, $0x7;
	s21 =	sadd.s32 $0x1, s12;
	s15 =	simm.s32 $0x1  }
0x32: {  	s17 =	sand.u32 @!p0 $0x1, s2;
	s22 =	simm.s32 $0x1E;
	_ =	strace @p1 $0x9000004F  }
0x33: {  	s15 =	simm.s32 @!p1 $0x0;
	s31 =	sadd.s32 @!p0 $0x3, s17;
	_ =	strace @!p0 $0x80000050  }
0x34: {  	p1 =	por $0x0, $0x0;
	s17 =	sadd.s32 $0x0, s15;
	_ =	swait.ge @!p0 [sflag:s31], $0x1000  }
0x35: {  	s29 =	simm.s32 @!p1 $0x0;
	s15 =	simm.s32 $0x0;
	[sflag:s31] =	ssyncset.done @!p0 $0x0  }
.LBB2_2:
0x36: {  	p1 =	seq.s32 s21, $0x4;
	s28 =	sand.u32 $0x3, s13  }
0x37: {  	[sflag:s31] =	ssyncadd.s32 @!p0 $0xFFFFF000;
	s25 =	smov.u32 s22;
	s19 =	simm.s32 $0x1  }
0x38: {  	s15 =	sadd.s32 s29, s15;
	p2 =	sne.s32 s11, $0x1;
	s19 =	simm.s32 @!p1 $0x0  }
0x39: {  	s18 =	sshra.s32 s18, $0x2;
	s26 =	sadd.s32 $0x1, s26;
	s13 =	sadd.s32 s19, s13  }
0x3a: {  	s22 =	sadd.s32 $0xFFFFFFFF, s22;
	s21 =	simm.s32 @p1 $0x0;
	p1 =	seq.s32 s13, $0x8  }
0x3b: {  	_ =	strace @!p0 $0x90000050;
	p0 =	seq.s32 s11, $0x1;
	s13 =	simm.s32 @p1 $0x0  }
0x3c: {  	s29 =	ssub.s32 s18, s23;
	p1 =	sne.s32 s12, s21;
	p3 =	sne.s32 s30, s13  }
0x3d: {  	s3 =	sshra.s32 s13, $0x1F;
	s19 =	sand.u32 $0x3, s13;
	s30 =	simm.s32 $0x1  }
0x3e: {  	p6 =	slt.s32 s13, $0x1;
	p3 =	por p1, p3;
	s18 =	sshrl.u32 s3, $0x1E  }
0x3f: {  	p2 =	por !p2, !p3;
	s18 =	sadd.s32 s18, s13;
	p3 =	por p0, p3  }
0x40: {  	p2 =	por !p2, !p2;
	s7 =	sand.u32 $0xFFFFFFFC, s18;
	s30 =	simm.s32 @!p3 $0x0  }
0x41: {  	s24 =	sshll.u32 @p2 s13, $0xE;
	s31 =	sadd.s32 @p2 s4, s21;
	s0 =	sand.u32 @p2 $0x1, s16  }
0x42: {  	p4 =	sne.s32 s13, s7;
	_ =	strace @p2 $0x8000004C;
	s31 =	sshll.u32 @p2 s31, $0x7  }
0x43: {  	s20 =	sadd.s32 s30, s20;
	s3 =	sshll.u32 @p2 s0, $0x7;
	s24 =	sadd.s32 @p2 s31, s24  }
0x44: {  	s0 =	sadd.s32 @p2 $0x1, s0;
	p3 =	por !p6, !p4;
	s23 =	sshrl.u32 @p2 s24, $0x3  }
0x45: {  	s31 =	simm.s32 @p2 $0x0;
	s24 =	simm.s32 $0x1;
	s23 =	sadd.s32 @p2 s1, s23  }
0x46: {  	[tilespmem:s3], [sflag:s0] =	stream.linear.gather @p2 [hbm4b:s23+s31], $0x80, $0x200038;
	[tilespmem:$0x2100] =	vst v63  }
0x47: {  	p6 =	sne.s32 s28, s19;
	s24 =	simm.s32 @!p2 $0x0;
	_ =	strace @p2 $0x9000004C  }
0x48: {  	s16 =	sadd.s32 s24, s16;
	s24 =	sshra.s32 s18, $0x2;
	_ =	strace $0x8000004D  }
0x49: {  	s23 =	simm.s32 $0x1;
	s0 =	sand.u32 $0x1, s17;
	_ =	swait.ge [sflag:s26], $0x80  }
0x4a: {  	p2 =	por !p3, !p3;
	s30 =	sshll.u32 s0, $0xC;
	[sflag:s26] =	ssyncset.done $0x0  }
0x4b: {  	s23 =	simm.s32 @!p2 $0x0;
	s7 =	sor.u32 $0x100, s30;
	[sflag:s26] =	ssyncadd.s32 $0xFFFFFF80  }
0x4c: {  	s30 =	sand.u32 $0x80, s14;
	s24 =	ssub.s32 s24, s23;
	_ =	strace $0x9000004D  }
0x4d: {  	s14 =	sshll.u32 s20, $0x7;
	p4 =	sne.s32 s29, s24;
	_ =	strace $0x8000004E  }
0x4e: {  	p2 =	por p6, p4;
	s26 =	sand.u32 $0x1, s20;
	s3 =	rddreg [dreg:$0x3]  }
0x4f: {  	p2 =	por p1, p2;
	p1 =	sne.s32 s22, $0x0;
	s31 =	rddreg [dreg:$0x4]  }
0x50: {  	[tilespmem:s7], [sflag:$0x5] =	stream.indirect.gather [hbm4b:s3+s31], $0x20, s30, s31, $0x2000b8;
	[tilespmem:$0x2100] =	vst v63  }
0x51: {  	p2 =	por p0, p2;
	p0 =	seq.s32 s11, $0x20;
	_ =	swait.ge [sflag:s8], $0x1000  }
0x52: {  	s0 =	sadd.s32 @p2 $0x3, s0;
	s3 =	sadd.s32 s4, s12;
	[sflag:s8] =	ssyncset.done $0x0  }
0x53: {  	s12 =	sshll.u32 @p2 s29, $0x15;
	s3 =	sshll.u32 @p2 s3, $0xE;
	[sflag:s8] =	ssyncadd.s32 $0xFFFFF000  }
0x54: {  	s3 =	sadd.s32 @p2 s3, s12;
	s12 =	sshll.u32 @p2 s28, $0x5;
	_ =	strace $0x9000004E  }
0x55: {  	s29 =	simm.s32 @p2 $0x20;
	s3 =	sor.u32 @p2 s12, s3;
	_ =	strace @p2 $0x8000004F  }
0x56: {  	s12 =	simm.s32 $0x1;
	s3 =	sshrl.u32 @p2 s3, $0x3;
	s28 =	rddreg [dreg:$0x5]  }
0x57: {  	s31 =	simm.s32 @p2 $0x80;
	s12 =	simm.s32 @!p2 $0x0;
	s3 =	sadd.s32 @p2 s28, s3  }
0x58: {  	[hbm4b:s3+s29] =	stream.strided.scatter @p2 [tilespmem:s7], [sflag:s0], $0x1000, s31, s29, $0x200038;
	[tilespmem:$0x2100] =	vst v63  }
.Ltmp0:
0x59: {  	s30 =	smov.u32 s13;
	s17 =	sadd.s32 s12, s17;
	(pc) =	sbr.rel @p1 .LBB2_2-.Ltmp0, $4  }
0x5a: {  	s12 =	smov.u32 s21;
	s0 =	sand.u32 @!p0 $0x1, s15;
	_ =	strace @p2 $0x9000004F  }
0x5b: {  	s21 =	sadd.s32 $0x1, s21;
	s31 =	sadd.s32 @!p0 $0x3, s0;
	_ =	strace @!p0 $0x80000050  }
0x5c: {  	s29 =	simm.s32 $0x1;
	p2 =	sne.s32 s11, $0x20;
	_ =	swait.ge @!p0 [sflag:s31], $0x1000  }
0x5d: {  	s11 =	smov.u32 s25;
	s29 =	simm.s32 @!p2 $0x0;
	[sflag:s31] =	ssyncset.done @!p0 $0x0  }
0x5e: {  	p1 =	seq.s32 s21, $0x4;
	s0 =	simm.s32 $0x1  }
0x5f: {  	s0 =	simm.s32 @!p1 $0x0  }
0x60: {  	s0 =	sadd.s32 s0, s13  }
0x61: {  	p2 =	seq.s32 s0, $0x8  }
0x62: {  	s21 =	simm.s32 @p1 $0x0;
	s0 =	simm.s32 @p2 $0x0  }
0x63: {  	p1 =	sne.s32 s12, s21;
	p2 =	sne.s32 s30, s0  }
0x64: {  	p3 =	sne.s32 s11, $0x1;
	p2 =	por p1, p2  }
0x65: {  	p2 =	por !p3, !p2  }
0x66: {  	p2 =	por !p2, !p2  }
0x67: {  	[sflag:s31] =	ssyncadd.s32 @!p0 $0xFFFFF000;
	s25 =	sadd.s32 $0x1, s26;
	s3 =	sadd.s32 @p2 s4, s21  }
0x68: {  	_ =	strace @!p0 $0x90000050;
	s7 =	sshll.u32 @p2 s0, $0xE;
	s3 =	sshll.u32 @p2 s3, $0x7  }
0x69: {  	s26 =	sshra.s32 s0, $0x1F;
	s13 =	sand.u32 @p2 $0x1, s16;
	s3 =	sadd.s32 @p2 s3, s7  }
0x6a: {  	_ =	strace @p2 $0x8000004C;
	s16 =	simm.s32 @p2 $0x0;
	s3 =	sshrl.u32 @p2 s3, $0x3  }
0x6b: {  	s7 =	sshll.u32 @p2 s13, $0x7;
	s13 =	sadd.s32 @p2 $0x1, s13;
	s3 =	sadd.s32 @p2 s1, s3  }
0x6c: {  	[tilespmem:s7], [sflag:s13] =	stream.linear.gather @p2 [hbm4b:s3+s16], $0x80, $0x200038;
	[tilespmem:$0x2100] =	vst v63  }
0x6d: {  	s14 =	sand.u32 $0x80, s14;
	s7 =	sshrl.u32 s26, $0x1E;
	_ =	strace @p2 $0x9000004C  }
0x6e: {  	p4 =	slt.s32 s0, $0x1;
	s7 =	sadd.s32 s7, s0;
	_ =	strace $0x8000004D  }
0x6f: {  	s13 =	simm.s32 $0x1;
	s28 =	sand.u32 $0xFFFFFFFC, s7;
	_ =	swait.ge [sflag:s25], $0x80  }
0x70: {  	s16 =	sand.u32 $0x1, s17;
	p6 =	sne.s32 s0, s28;
	[sflag:s25] =	ssyncset.done $0x0  }
0x71: {  	s18 =	sshll.u32 s16, $0xC;
	p0 =	por !p4, !p6;
	[sflag:s25] =	ssyncadd.s32 $0xFFFFFF80  }
0x72: {  	s7 =	sshra.s32 s7, $0x2;
	p0 =	por !p0, !p0;
	_ =	strace $0x9000004D  }
0x73: {  	s0 =	sand.u32 $0x3, s0;
	s13 =	simm.s32 @!p0 $0x0;
	_ =	strace $0x8000004E  }
0x74: {  	p4 =	sne.s32 s19, s0;
	s7 =	ssub.s32 s7, s13;
	s30 =	rddreg [dreg:$0x3]  }
0x75: {  	s13 =	sor.u32 $0x100, s18;
	s31 =	rddreg [dreg:$0x4];
	p3 =	sne.s32 s24, s7  }
0x76: {  	[tilespmem:s13], [sflag:$0x5] =	stream.indirect.gather [hbm4b:s30+s31], $0x20, s14, s31, $0x2000b8;
	[tilespmem:$0x2100] =	vst v63  }
0x77: {  	p6 =	seq.s32 s11, $0x1;
	p0 =	por p4, p3  }
0x78: {  	s0 =	sadd.s32 s4, s12;
	_ =	swait.ge [sflag:s8], $0x1000;
	p0 =	por p1, p0  }
0x79: {  	s12 =	sadd.s32 s29, s15;
	[sflag:s8] =	ssyncset.done $0x0;
	p0 =	por p6, p0  }
0x7a: {  	[sflag:s8] =	ssyncadd.s32 $0xFFFFF000;
	s3 =	sshll.u32 @p0 s24, $0x15;
	s0 =	sshll.u32 @p0 s0, $0xE  }
0x7b: {  	_ =	strace $0x9000004E;
	s0 =	sadd.s32 @p0 s0, s3;
	s3 =	sshll.u32 @p0 s19, $0x5  }
0x7c: {  	p1 =	seq.s32 s11, $0x20;
	_ =	strace @p0 $0x8000004F;
	s0 =	sor.u32 @p0 s3, s0  }
0x7d: {  	s14 =	simm.s32 @p0 $0x20;
	s7 =	rddreg [dreg:$0x5];
	s0 =	sshrl.u32 @p0 s0, $0x3  }
0x7e: {  	s15 =	simm.s32 @p0 $0x80;
	s3 =	sadd.s32 @p0 $0x3, s16;
	s0 =	sadd.s32 @p0 s7, s0  }
0x7f: {  	[hbm4b:s0+s14] =	stream.strided.scatter @p0 [tilespmem:s13], [sflag:s3], $0x1000, s15, s14, $0x200038;
	[tilespmem:$0x2100] =	vst v63  }
0x80: {  	s0 =	sand.u32 @!p1 $0x1, s12;
	_ =	strace @p0 $0x9000004F  }
0x81: {  	s0 =	sadd.s32 @!p1 $0x3, s0;
	_ =	strace @!p1 $0x80000050  }
0x82: {  	_ =	swait.ge @!p1 [sflag:s0], $0x1000  }
0x83: {  	[sflag:s0] =	ssyncset.done @!p1 $0x0  }
0x84: {  	s10 =	sadd.s32 $0x1, s10;
	[sflag:s0] =	ssyncadd.s32 @!p1 $0xFFFFF000  }
0x85: {  	p0 =	sne.s32 s10, s6;
	_ =	strace @!p1 $0x90000050  }
.Ltmp1:
0x86: {  	_ =	strace $0x80000051;
	(pc) =	sbr.rel @p0 .LBB2_1-.Ltmp1, $4  }
0x87: {  	_ =	swait.ge [sflag:s9], $0x1000  }
0x88: {  	[sflag:s9] =	ssyncset.done $0x0  }
0x89: {  	[sflag:s9] =	ssyncadd.s32 $0xFFFFF000  }
0x8a: {  	_ =	strace $0x90000051  }
0x8b: {  	_ =	sfence.sel $0x180000  }
0x8c: {  	[bflag:$0x0] =	sbarrier.arrive $0xFFFF  }
0x8d: {  	_ =	strace $0x9000004A  }
0x8e: {  	s0 =	stileid.u32;
	[bflag:$0x2] =	sbarrier.arrive $0xFFFF  }
0x8f: {  	p0 =	sne.s32 s0, $0x0;
	s0 =	rddreg [dreg:$0x2]  }
0x90: {  	s0 =	sadd.s32 @!p0 $0x100000, s0  }
0x91: {  	[sflag:s0] =	ssyncadd.tile.s32 @!p0 $0x1;
	_ =	shalt  }
.Lfunc_end2:
_tile_overlayer_lowered:
.L_overlay_start_2:
0x92: {  	(tag) =	ssettag $0x2  }
0x93: {  	s0 =	rddreg [dreg:$0x0];
	s2 =	stileid.u32  }
0x94: {  	s1 =	rddreg [dreg:$0x1];
	p0 =	sne.s32 s2, $0x0  }
0x95: {  	s3 =	rddreg [dreg:$0x2];
	[bflag:$0x3] =	sbarrier.arrive $0xFFFF;
	s2 =	simm.s32 @!p0 $0x1C01  }
0x96: {  	[timem:s3], [sflag:s2] =	dma.local @!p0 [hbm:s0], s1  }
0x97: {  	s0 =	simm.s32 @!p0 $0x1  }
0x98: {  	_ =	swait.ge @!p0 [sflag:s0], s1  }
0x99: {  	s1 =	ssub.s32 @!p0 $0x0, s1;
	[sflag:s0] =	ssyncset.done @!p0 $0x0  }
0x9a: {  	[sflag:s0] =	ssyncadd.s32 @!p0 s1  }
0x9b: {  	[bflag:$0x3] =	sbarrier.arrive $0xFFFF  }
0x9c: {  	_ =	shalt  }

// kernel: sparse-core-data-format-call.cloned.1.call-start
scs
called_computation_lowered:
.L_overlay_start_0:
0x0: {  	s2 =	sld [smem:$0x3FD9]  }
0x1: {  	s3 =	sld [smem:$0x3FFE];
	_ =	sdelay $0x1  }
0x2: {  	s1 =	srdreg.scid  }
0x3: {  	s0 =	sand.u32 $0x1, s1  }
0x4: {  	s18 =	sshll.u32 s0, $0xA;
	s2 =	sadd.s32 s3, s2  }
0x5: {  	s2 =	sadd.s32 s2, s18  }
0x6: {  	[smem:$0x3FC2] =	sst s2  }
0x7: {  	_ = 	snop  }
0x8: {  	s2 =	sld [smem:$0x3FC8];
	(tm) =	ssettm $0x1  }
0x9: {  	s19 =	sld [smem:$0x3FFB];
	_ =	sdelay $0x3  }
0xa: {  	_ =	strace s19  }
0xb: {  	s3 =	sld [smem:$0x3FFC];
	_ =	sdelay $0x3  }
0xc: {  	_ =	strace s3  }
0xd: {  	s3 =	sld [smem:$0x3FFD];
	_ =	sdelay $0x3  }
0xe: {  	_ =	strace s3  }
0xf: {  	_ =	strace $0x8FFFFFFF  }
0x10: {  	s20 =	sld [smem:$0x3FDB];
	_ =	sdelay $0x1  }
0x11: {  	s4 =	simm.s32 $_scs_section_size  }
0x12: {  	s5 =	simm.s32 $_size__tile_overlayer_lowered;
	s6 =	simm.s32 $_tile_overlayer_lowered  }
0x13: {  	s23 =	simm.s32 $0x1BFF;
	s22 =	sshll.u32 s6, $0x1;
	s3 =	sadd.s32 s4, s20  }
0x14: {  	s7 =	simm.s32 $0x0;
	s21 =	sshll.u32 s5, $0x1;
	s5 =	sadd.s32 s22, s3  }
0x15: {  	[timem:s7], [sflag:s23] =	dma.local [hbm:s5], s21  }
0x16: {  	_ =	swait.ge [sflag:s23], s21  }
0x17: {  	s4 =	ssub.s32 $0x0, s21;
	[sflag:s23] =	ssyncset.done $0x0  }
0x18: {  	[sflag:s23] =	ssyncadd.s32 s4;
	_ =	sdelay $0x1  }
0x19: {  	s24 =	simm.s32 $0x1B8B  }
0x1a: {  	_ =	swait.ge [sflag:s24], $0x1  }
0x1b: {  	[sflag:s24] =	ssyncset.done $0x0  }
0x1c: {  	s26 =	simm.s32 $0x1B8E;
	s25 =	sld [smem:$0x3FFE];
	[sflag:s24] =	ssyncadd.s32 $0xFFFFFFFF  }
0x1d: {  	s27 =	simm.s32 $execute0_lowered;
	[smem:$0x3FD2] =	sst s26  }
0x1e: {  	s5 =	sshll.u32 s27, $0x1;
	_ =	strace $0x80000046;
	[dreg:$0x1] =	wrdreg $0xFFFFFFFF  }
0x1f: {  	s28 =	simm.s32 $_size_execute0_lowered;
	s3 =	sadd.s32 s3, s5;
	[dreg:$0x0] =	wrdreg $0x0  }
0x20: {  	s5 =	sshll.u32 s28, $0x1;
	[dreg:$0x2] =	wrdreg s3  }
0x21: {  	[dreg:$0x3] =	wrdreg s5  }
0x22: {  	[dreg:$0x4] =	wrdreg $0xC0  }
0x23: {  	_ =	task [dreg:s7], $0x5FFFF  }
0x24: {  	[dreg:$0x1] =	wrdreg $0xFFFFFFFF  }
0x25: {  	[dreg:$0x0] =	wrdreg $0x60  }
0x26: {  	[dreg:$0x2] =	wrdreg s2  }
0x27: {  	[dreg:$0x3] =	wrdreg s25  }
0x28: {  	[dreg:$0x4] =	wrdreg $0x9  }
0x29: {  	_ =	task.clear_ibuf [dreg:s7], $0x5FFFF;
	_ =	strace $0x90000046  }
0x2a: {  	s29 =	simm.s32 $0x9;
	_ =	strace $0x80000048  }
0x2b: {  	_ =	swait.ge [sflag:s29], $0x1  }
0x2c: {  	[sflag:s29] =	ssyncadd.s32 $0xFFFFFFFF  }
0x2d: {  	_ =	strace $0x90000048  }
0x2e: {  	_ =	sfence  }
0x2f: {  	s30 =	sld [smem:$0x0];
	_ =	sdelay $0x2  }
0x30: {  	s31 =	sshll.u32 s1, $0xD;
	s1 =	sshrl.u32 s1, $0x2  }
0x31: {  	s3 =	sand.u32 $0x4000, s31;
	s1 =	sadd.s32 s1, s30  }
0x32: {  	s0 =	sor.u32 s3, s0;
	s1 =	sshll.u32 s1, $0x11  }
0x33: {  	s0 =	sor.u32 s1, s0  }
0x34: {  	s0 =	sadd.s32 $0x8F2B, s0  }
0x35: {  	[sflag:s0] =	ssyncadd.remote.s32 $0x1  }
0x36: {  	_ =	sfence.sel $0xFFFF  }
0x37: {  	[dreg:$0x0] =	wrdreg $0xFFFFFFFF;
	(pc) =	sbr.abs _section_cstart, $3  }
0x38: {  	[dreg:$0x1] =	wrdreg $0xFFFFFFFF  }
0x39: {  	_ =	task.clear_ibuf [dreg:s7], $0x2FFFF;
	_ =	strace $0x9FFFFFFF  }
0x3a: {  	(tm) =	ssettm $0x7FFFFFFF  }
0x3b: {  	_ =	shalt  }
tec
execute0_lowered:
.L_overlay_start_1:
0x0: {  	(tag) =	ssettag $0x1  }
0x1: {  	s0 =	srdreg.scid;
	s2 =	rddreg [dreg:$0x0]  }
0x2: {  	s5 =	rddreg [dreg:$0x1];
	s1 =	stileid.u32  }
0x3: {  	s4 =	simm.s32 $0x1;
	s6 =	simm.s32 $0x2;
	s15 =	simm.s32 $0x0  }
0x4: {  	p0 =	por $0x0, $0x0;
	s8 =	simm.s32 $0x80;
	s0 =	sshll.u32 s0, $0x4  }
0x5: {  	s14 =	simm.s32 $0x0;
	s9 =	simm.s32 $0x0;
	s3 =	sand.u32 $0x10, s0  }
.Ltmp0:
0x6: {  	s10 =	simm.s32 $0x0;
	s3 =	sor.u32 s1, s3;
	(pc) =	sbr.rel .LBB1_1-.Ltmp0, $4  }
0x7: {  	s0 =	rddreg [dreg:$0x2];
	_ =	strace $0x80000047;
	s3 =	sshll.u32 s3, $0x7  }
0x8: {  	s12 =	simm.s32 $0x0;
	[sflag:s4] =	ssyncpa.u1 $0x0;
	s7 =	ssub.s32 $0xF4200, s3  }
0x9: {  	s13 =	simm.s32 $0x0;
	[sflag:s6] =	ssyncpa.u1 $0x0;
	s6 =	sshrl.u32 s7, $0xC  }
0xa: {  	s5 =	sadd.s32 $0x1800, s5;
	s11 =	smov.u32 s3;
	s7 =	sadd.s32 $0x2, s6  }
.LBB1_5:
0xb: {  	p1 =	slt.u32 s13, $0x2  }
0xc: {  	s17 =	smov.u32 s15;
	p2 =	sgt.s32 @!p1 s15, $0xF41C0;
	s16 =	sshra.s32 @!p1 s15, $0x1F  }
0xd: {  	p3 =	sgt.s32 @!p1 s14, $0x60;
	s18 =	sshra.s32 @!p1 s14, $0x1F;
	p2 =	por !p2, p1  }
0xe: {  	s15 =	sand.u32 @!p1 s16, s15;
	p3 =	por !p3, p1;
	s16 =	smov.u32 s14  }
0xf: {  	s14 =	sand.u32 @!p1 s18, s14;
	s17 =	simm.s32 @p2 $0xF41C0;
	s16 =	simm.s32 @p3 $0x60  }
0x10: {  	s15 =	ssub.s32 @!p1 s17, s15;
	s14 =	ssub.s32 @!p1 s16, s14  }
0x11: {  	s18 =	smov.u32 s12;
	s16 =	sadd.s32 @!p1 $0xFFF0BE40, s15;
	s17 =	sadd.s32 @!p1 $0xFFFFFFA0, s14  }
0x12: {  	s15 =	ssub.s32 @!p1 $0xF4240, s15;
	p2 =	sgt.s32 @!p1 s16, $0x7F;
	p3 =	sgt.s32 @!p1 s17, $0x1F  }
0x13: {  	s14 =	ssub.s32 @!p1 $0x80, s14;
	p2 =	por !p2, p1;
	p3 =	por !p3, p1  }
0x14: {  	s16 =	sadd.s32 $0x1000, s11;
	s15 =	simm.s32 @!p2 $0x0;
	s14 =	simm.s32 @!p3 $0x0  }
0x15: {  	p2 =	sgt.s32 s16, $0xF423F;
	s14 =	smul.u32 @!p1 s14, s15;
	s15 =	sadd.s32 $0x20, s12  }
0x16: {  	s18 =	smov.u32 @p2 s15  }
0x17: {  	s16 =	smov.u32 @p2 s3;
	p2 =	sgt.s32 s18, $0x1F  }
0x18: {  	s18 =	simm.s32 @p2 $0x0;
	p2 =	sne.s32 s13, s7  }
.Ltmp1:
0x19: {  	p0 =	por !p0, !p0;
	s17 =	simm.s32 @!p1 $0x2;
	(pc) =	sbr.rel @!p2 .LBB1_6-.Ltmp1, $4  }
0x1a: {  	s15 =	smov.u32 s9;
	s9 =	smov.u32 s11;
	s14 =	sand.u32 @!p1 $0x3FFFFFFF, s14  }
0x1b: {  	s11 =	smov.u32 s16;
	_ =	swait.ge @!p1 [sflag:s17], s14;
	s19 =	ssub.s32 @!p1 $0x0, s14  }
0x1c: {  	s14 =	smov.u32 s10;
	s13 =	sadd.s32 $0x1, s13;
	[sflag:s17] =	ssyncset.done @!p1 $0x0  }
0x1d: {  	s10 =	smov.u32 s12;
	s12 =	smov.u32 s18;
	[sflag:s17] =	ssyncadd.s32 @!p1 s19  }
.LBB1_1:
0x1e: {  	p1 =	sgt.u32 s13, s6  }
0x1f: {  	s16 =	sshrl.u32 @!p1 s12, $0x3  }
0x20: {  	s17 =	sshll.u32 @!p1 s11, $0x3;
	s16 =	smul.u32 @!p1 $0x7A1400, s16  }
0x21: {  	s18 =	sshll.u32 @!p1 s12, $0x7;
	s17 =	sand.u32 @!p1 $0xFFFFFC00, s17  }
0x22: {  	s16 =	sadd.s32 @!p1 s16, s17;
	s17 =	sand.u32 @!p1 $0x380, s18  }
0x23: {  	s18 =	sand.u32 @!p1 $0x7F, s11;
	s16 =	sor.u32 @!p1 s17, s16  }
0x24: {  	s17 =	sor.u32 @!p1 s18, s16  }
0x25: {  	s18 =	smulhi.u32 @!p1 $0x218D6287, s17;
	_ =	sdelay $0x1  }
0x26: {  	s16 =	smulhi.u32 @!p1 $0x218D6287, s16;
	s18 =	sshrl.u32 @!p1 s18, $0x11  }
0x27: {  	s18 =	smul.u32 @!p1 $0xF4280, s18  }
0x28: {  	s19 =	sxor.u32 @!p1 $0xFFFFFFFF, s13;
	s16 =	sshrl.u32 @!p1 s16, $0x11  }
0x29: {  	s19 =	sshll.u32 @!p1 s19, $0xC;
	s16 =	sand.u32 @!p1 $0x1F, s16;
	s17 =	ssub.s32 @!p1 s17, s18  }
0x2a: {  	s16 =	smul.u32 @!p1 $0x1E850, s16;
	s18 =	sshrl.u32 @!p1 s17, $0x3;
	s17 =	sand.u32 @!p1 $0x7, s17  }
0x2b: {  	s19 =	sand.u32 @!p1 $0x1000, s19;
	s18 =	sadd.s32 @!p1 s2, s18;
	s17 =	sshll.u32 @!p1 s17, $0x12  }
0x2c: {  	s16 =	sadd.s32 @!p1 s16, s18;
	s17 =	sor.u32 @!p1 $0x400, s17;
	s18 =	simm.s32 @!p1 $0x7A1400  }
0x2d: {  	[tilespmem:s19], [sflag:$0x1] =	stream.strided.gather @!p1 [hbm4b:s16+s17], $0x1000, s18, s17, $0x38;
	[tilespmem:$0x4100] =	vst v63  }
0x2e: {  	p1 =	seq.s32 s13, $0x0  }
0x2f: {  	p2 =	sge.u32 @!p1 s13, s7  }
0x30: {  	p1 =	por p1, p2  }
.Ltmp2:
0x31: {  	_ = 	snop;
	(pc) =	sbr.rel @p1 .LBB1_5-.Ltmp2, $1  }
0x32: {  	_ =	sdelay $0x3  }
0x33: {  	s16 =	simm.s32 $0x1  }
0x34: {  	_ =	swait.ge [sflag:s4], $0x1000;
	s16 =	simm.s32 @!p0 $0x0  }
0x35: {  	[sflag:s4] =	ssyncset.done $0x0;
	s17 =	sshll.u32 s16, $0xC  }
0x36: {  	[sflag:s4] =	ssyncadd.s32 $0xFFFFF000;
	s17 =	sor.u32 $0x40, s17  }
0x37: {  	s16 =	smul.u32 $0x4200, s16;
	v0 =	vld [tilespmem:s17+$0x30]  }
0x38: {  	v1 =	vld [tilespmem:s17+$0xFFFFFFD0]  }
0x39: {  	s16 =	sshrl.u32 s16, $0x2;
	v5 =	vld [tilespmem:s17+$0xFFFFFFE0]  }
0x3a: {  	v6 =	vld [tilespmem:s17+$0xFFFFFFF0];
	s19 =	sor.u32 $0x2000, s16  }
0x3b: {  	s31 =	sand.u32 $0x1, s13;
	v4 =	vld [tilespmem:s17+$0x0];
	s18 =	sadd.s32 $0x0, s19  }
0x3c: {  	v3 =	vld [tilespmem:s17+$0x10];
	s16 =	smul.u32 $0x4200, s31;
	[tilespmem:s18+$0xE70 ss:$0x21] =	vst.msk $0xffff, v0  }
0x3d: {  	v2 =	vld [tilespmem:s17+$0x20];
	[tilespmem:s18+$0x210 ss:$0x21] =	vst.msk $0xffff, v1  }
0x3e: {  	s16 =	sshrl.u32 s16, $0x2;
	v1 =	vld [tilespmem:s17+$0xFFFFFFC0];
	[tilespmem:s18+$0x420 ss:$0x21] =	vst.msk $0xffff, v5;
	s17 =	sadd.s32 $0x80, s17  }
0x3f: {  	s20 =	simm.s32 $0x4;
	s21 =	simm.s32 $0x8;
	s16 =	sor.u32 $0x2000, s16;
	[tilespmem:s18+$0x630 ss:$0x21] =	vst.msk $0xffff, v6;
	v0 =	vld [tilespmem:s17+$0x30]  }
.LBB1_3:
0x40: {  	p1 =	sne.s32 s21, $0x7C;
	v5 =	vld [tilespmem:s17+$0xFFFFFFD0];
	[tilespmem:s18+$0x840 ss:$0x21] =	vst.msk $0xffff, v4  }
0x41: {  	v6 =	vld [tilespmem:s17+$0xFFFFFFE0];
	[tilespmem:s18+$0xA50 ss:$0x21] =	vst.msk $0xffff, v3  }
0x42: {  	s22 =	sshra.s32 s20, $0x2;
	s20 =	smov.u32 s21;
	v7 =	vld [tilespmem:s17+$0xFFFFFFF0];
	[tilespmem:s18+$0xC60 ss:$0x21] =	vst.msk $0xffff, v2  }
.Ltmp3:
0x43: {  	v4 =	vld [tilespmem:s17+$0x0];
	[tilespmem:s18+$0x0 ss:$0x21] =	vst.msk $0xffff, v1;
	s18 =	sadd.s32 s22, s19;
	(pc) =	sbr.rel @p1 .LBB1_3-.Ltmp3, $4  }
0x44: {  	v3 =	vld [tilespmem:s17+$0x10];
	[tilespmem:s18+$0xE70 ss:$0x21] =	vst.msk $0xffff, v0  }
0x45: {  	[tilespmem:s18+$0x210 ss:$0x21] =	vst.msk $0xffff, v5;
	v2 =	vld [tilespmem:s17+$0x20]  }
0x46: {  	v1 =	vld [tilespmem:s17+$0xFFFFFFC0];
	[tilespmem:s18+$0x420 ss:$0x21] =	vst.msk $0xffff, v6;
	s17 =	sadd.s32 $0x80, s17  }
0x47: {  	s21 =	sadd.s32 $0x4, s21;
	v0 =	vld [tilespmem:s17+$0x30];
	[tilespmem:s18+$0x630 ss:$0x21] =	vst.msk $0xffff, v7  }
0x48: {  	s21 =	sshll.u32 s9, $0x7;
	s22 =	sshll.u32 s10, $0x3;
	s20 =	sshra.s32 s20, $0x2  }
0x49: {  	p1 =	sgt.s32 s9, $0xF41C0;
	s30 =	sshra.s32 s9, $0x1F;
	s25 =	sshra.s32 s10, $0x1F  }
0x4a: {  	v5 =	vld [tilespmem:s17+$0xFFFFFFD0];
	s28 =	sshrl.u32 s10, $0x3;
	s23 =	sand.u32 $0xFFFFFC00, s21;
	s22 =	sand.u32 $0xFFFFFC00, s22  }
0x4b: {  	[tilespmem:s18+$0x840 ss:$0x21] =	vst.msk $0xffff, v4;
	v58 =	vld [tilespmem:s17+$0xFFFFFFE0];
	s21 =	sand.u32 $0x380, s21;
	s19 =	sadd.s32 s20, s19;
	s22 =	sadd.s32 s22, s23  }
0x4c: {  	v59 =	vld [tilespmem:s17+$0xFFFFFFF0];
	[tilespmem:s18+$0xA50 ss:$0x21] =	vst.msk $0xffff, v3;
	s29 =	sor.u32 s21, s22;
	s21 =	smov.u32 s9;
	s22 =	sand.u32 s30, s9  }
0x4d: {  	v60 =	vld [tilespmem:s17+$0x0];
	[tilespmem:s18+$0xC60 ss:$0x21] =	vst.msk $0xffff, v2;
	s30 =	sand.u32 $0x7, s10;
	s20 =	sshrl.u32 s29, $0x7;
	s21 =	simm.s32 @!p1 $0xF41C0  }
0x4e: {  	v61 =	vld [tilespmem:s17+$0x10];
	[tilespmem:s18+$0x0 ss:$0x21] =	vst.msk $0xffff, v1;
	p1 =	sgt.s32 s10, $0x60;
	s24 =	ssub.s32 s21, s22;
	s21 =	smov.u32 s10  }
0x4f: {  	v62 =	vld [tilespmem:s17+$0x20];
	[tilespmem:s19+$0xE70 ss:$0x21] =	vst.msk $0xffff, v0;
	s31 =	smulhi.u32 $0x218DEF5, s20;
	s22 =	sand.u32 s25, s10;
	s21 =	simm.s32 @!p1 $0x60  }
0x50: {  	v63 =	vld [tilespmem:s17+$0xFFFFFFC0];
	[tilespmem:s19+$0x210 ss:$0x21] =	vst.msk $0xffff, v5;
	s26 =	sadd.s32 $0xFFF0BE40, s24;
	s17 =	ssub.s32 $0xF4240, s24;
	s21 =	ssub.s32 s21, s22  }
0x51: {  	[tilespmem:s19+$0x420 ss:$0x21] =	vst.msk $0xffff, v58;
	s23 =	sshrl.u32 s31, $0xD;
	p1 =	sgt.s32 s26, $0x7F;
	s27 =	sadd.s32 $0xFFFFFFA0, s21  }
0x52: {  	[tilespmem:s19+$0x630 ss:$0x21] =	vst.msk $0xffff, v59;
	s23 =	smul.u32 $0xF4240, s23;
	s18 =	ssub.s32 $0x80, s21;
	p2 =	sgt.s32 s27, $0x1F  }
.Ltmp4:
0x53: {  	[tilespmem:s19+$0x840 ss:$0x21] =	vst.msk $0xffff, v60;
	s17 =	simm.s32 @p1 $0x0;
	s18 =	simm.s32 @p2 $0x0;
	(pc) =	sbr.rel .LBB1_5-.Ltmp4, $4  }
0x54: {  	s29 =	sand.u32 $0xF, s28;
	[tilespmem:s19+$0xA50 ss:$0x21] =	vst.msk $0xffff, v61;
	s20 =	ssub.s32 s20, s23;
	s17 =	smul.u32 s18, s17  }
0x55: {  	[tilespmem:s19+$0xC60 ss:$0x21] =	vst.msk $0xffff, v62;
	s21 =	sshll.u32 s30, $0x12;
	s20 =	sshll.u32 s20, $0x4;
	s18 =	sadd.s32 s5, s29  }
0x56: {  	[tilespmem:s19+$0x0 ss:$0x21] =	vst.msk $0xffff, v63;
	s31 =	sor.u32 $0x20, s21;
	s18 =	sadd.s32 s20, s18;
	s17 =	sand.u32 $0x3FFFFFFF, s17  }
0x57: {  	[hbm4b:s18+s31] =	stream.strided.scatter [tilespmem:s16], [sflag:$0x2], s17, s8, s31, $0x10;
	[tilespmem:$0x4100] =	vst v63  }
.LBB1_6:
0x58: {  	_ =	sfence.sel $0x180000  }
0x59: {  	s2 =	simm.s32 $0x1;
	[bflag:$0x0] =	sbarrier.arrive $0xFFFF  }
0x5a: {  	s31 =	simm.s32 $0x2;
	[sflag:s2] =	ssyncpa.u1 $0x1  }
0x5b: {  	[sflag:s31] =	ssyncpa.u1 $0x1  }
0x5c: {  	p0 =	sne.s32 s1, $0x0;
	_ =	strace $0x90000047  }
0x5d: {  	s0 =	sadd.s32 @!p0 $0x100000, s0;
	[bflag:$0x2] =	sbarrier.arrive $0xFFFF  }
0x5e: {  	[sflag:s0] =	ssyncadd.tile.s32 @!p0 $0x1;
	_ =	shalt  }
.Lfunc_end1:
_tile_overlayer_lowered:
.L_overlay_start_2:
0x5f: {  	(tag) =	ssettag $0x2  }
0x60: {  	s0 =	rddreg [dreg:$0x0];
	s2 =	stileid.u32  }
0x61: {  	s1 =	rddreg [dreg:$0x1];
	p0 =	sne.s32 s2, $0x0  }
0x62: {  	s3 =	rddreg [dreg:$0x2];
	[bflag:$0x3] =	sbarrier.arrive $0xFFFF;
	s2 =	simm.s32 @!p0 $0x1C01  }
0x63: {  	[timem:s3], [sflag:s2] =	dma.local @!p0 [hbm:s0], s1  }
0x64: {  	s0 =	simm.s32 @!p0 $0x1  }
0x65: {  	_ =	swait.ge @!p0 [sflag:s0], s1  }
0x66: {  	s1 =	ssub.s32 @!p0 $0x0, s1;
	[sflag:s0] =	ssyncset.done @!p0 $0x0  }
0x67: {  	[sflag:s0] =	ssyncadd.s32 @!p0 s1  }
0x68: {  	[bflag:$0x3] =	sbarrier.arrive $0xFFFF  }
0x69: {  	_ =	shalt  }

</sc_bundles>
